<compile_context>
chip_gen: v7x
topology: tpu7x:2x2x1
jax: 0.10.2.dev20260603
libtpu: 0.0.44.dev20260713+nightly
codegen_flags: <defaults>
</compile_context>

<pallas_src>
import functools

import jax
import jax.numpy as jnp
from jax import lax
from jax.experimental import pallas as pl
from jax.experimental.pallas import tpu as pltpu
from jax.experimental.pallas import tpu_sc as plsc

N, D, H = 50000, 256, 256
NW = 32
CHUNK_ROWS = 400
NCHUNKS = N // CHUNK_ROWS
CHUNK_WORDS = CHUNK_ROWS * D
NVREG = D // 16


def _sc_body(x_hbm, vx_hbm, h_hbm, psum_hbm, buf, vxb, accb):
    wid = lax.axis_index("s") * 2 + lax.axis_index("c")
    pltpu.sync_copy(vx_hbm, vxb)
    vxv = [vxb[pl.ds(16 * j, 16)] for j in range(NVREG)]

    def chunk_body(i, acc):
        cid = wid + NW * i
        base = cid * CHUNK_WORDS
        pltpu.sync_copy(x_hbm.at[pl.ds(base, CHUNK_WORDS)], buf)

        def row_body(r, acc_in):
            rb = r * D
            out = []
            for j in range(NVREG):
                hv = buf[pl.ds(rb + 16 * j, 16)] + vxv[j]
                buf[pl.ds(rb + 16 * j, 16)] = hv
                out.append(acc_in[j] + hv)
            return tuple(out)

        acc = lax.fori_loop(0, CHUNK_ROWS, row_body, acc)
        pltpu.sync_copy(buf, h_hbm.at[pl.ds(base, CHUNK_WORDS)])
        return acc

    zero = jnp.zeros((16,), jnp.float32)
    acc0 = tuple(zero for _ in range(NVREG))
    ntrips = (NCHUNKS - 1 - wid) // NW + 1
    acc = lax.fori_loop(0, ntrips, chunk_body, acc0)
    for j in range(NVREG):
        accb[pl.ds(16 * j, 16)] = acc[j]
    pltpu.sync_copy(accb, psum_hbm.at[pl.ds(wid * D, D)])


def _mlp_kernel(psum_ref, vx_ref, w1_ref, b1_ref, gamma_ref, beta_ref,
                vxnew_ref):
    pooled = jnp.sum(psum_ref[...], axis=0, keepdims=True)
    vx_temp = pooled + vx_ref[...]
    z = jnp.dot(vx_temp, w1_ref[...],
                preferred_element_type=jnp.float32) + b1_ref[...]
    mu = jnp.mean(z, axis=-1, keepdims=True)
    var = jnp.mean((z - mu) * (z - mu), axis=-1, keepdims=True)
    zn = gamma_ref[...] * (z - mu) * jax.lax.rsqrt(var + 1e-5) + beta_ref[...]
    vxnew_ref[...] = jnp.maximum(zn, 0.0)


@jax.jit
def kernel(x, vn_emb, W1, b1, gamma, beta):
    mesh = plsc.VectorSubcoreMesh(core_axis_name="c", subcore_axis_name="s")
    sc = pl.kernel(
        _sc_body,
        out_type=[
            jax.ShapeDtypeStruct((N * D,), jnp.float32),
            jax.ShapeDtypeStruct((NW * D,), jnp.float32),
        ],
        mesh=mesh,
        scratch_types=[
            pltpu.VMEM((CHUNK_WORDS,), jnp.float32),
            pltpu.VMEM((D,), jnp.float32),
            pltpu.VMEM((D,), jnp.float32),
        ],
    )
    h1, psum1 = sc(x.reshape(N * D), vn_emb.reshape(D))
    h = h1.reshape(N, D)
    psums = psum1.reshape(NW, D)

    vx_new = pl.pallas_call(
        _mlp_kernel,
        out_shape=jax.ShapeDtypeStruct((1, H), jnp.float32),
    )(psums, vn_emb, W1, b1.reshape(1, H), gamma.reshape(1, H),
      beta.reshape(1, H))
    return (h, vx_new)

# --- scband reference (transcript-rebuilt; emitter-appended) ---
"""Pipeline reference for scband-virtual-node-44100724195821 (READ-ONLY COPY).

The authoritative reference and input builder live on the scoring server;
editing this copy changes nothing except your own understanding.
"""

import jax, jax.numpy as jnp
import numpy as np

N, D, H = 50000, 256, 256

def setup_inputs(seed: int = 0) -> dict:
    key = jax.random.key(seed)
    ks = jax.random.split(key, 6)
    x = jax.random.normal(ks[0], (N, D), dtype=jnp.float32)
    # vn_emb is the nn.Embedding(num=1, in_feats) weight (initialized to 0 in torch; use small randn for a nontrivial reference)
    vn_emb = jax.random.normal(ks[1], (1, D), dtype=jnp.float32) * 0.02
    # mlp_vns[0]: Linear(in_feats, hidden_feats) + LayerNorm(hidden_feats) + ReLU
    W1 = jax.random.normal(ks[2], (D, H), dtype=jnp.float32) * (1.0 / np.sqrt(D))
    b1 = jnp.zeros((H,), dtype=jnp.float32)
    gamma = jnp.ones((H,), dtype=jnp.float32)
    beta = jnp.zeros((H,), dtype=jnp.float32)
    return {"x": x, "vn_emb": vn_emb, "W1": W1, "b1": b1, "gamma": gamma, "beta": beta}

def reference(x, vn_emb, W1, b1, gamma, beta):
    # --- update_node_emb (virtual_num == 1 branch): h = x + vx (broadcast) ---
    vx = vn_emb  # [1, D]
    h = x + vx   # [N, D]
    # --- update_vn_emb (virtual_num == 1 branch): global_add_pool over all nodes ---
    seg = jnp.zeros((h.shape[0],), dtype=jnp.int32)
    pooled = jax.ops.segment_sum(h, seg, num_segments=1)  # [1, D]
    vx_temp = pooled + vx
    # mlp_vns[0]: Linear -> LayerNorm -> ReLU
    z = vx_temp @ W1 + b1
    mu = jnp.mean(z, axis=-1, keepdims=True)
    var = jnp.var(z, axis=-1, keepdims=True)
    z = gamma * (z - mu) / jnp.sqrt(var + 1e-5) + beta
    vx_new = jax.nn.relu(z)
    # F.dropout with training=False is identity; residual=False so vx = vx_temp
    return (h, vx_new)

if __name__ == "__main__":
    import jax
    _d = setup_inputs()
    print(jax.jit(kernel)(*tuple(_d.values())))

</pallas_src>

<mosaic_0001>
#map = affine_map<(d0, d1) -> (0)>
module attributes {stable_mosaic.version = 14 : i64} {
  func.func @_sc_body(%arg0: i32, %arg1: i32, %arg2: memref<12800000xf32, #tpu.memory_space<hbm>>, %arg3: memref<256xf32, #tpu.memory_space<hbm>>, %arg4: memref<12800000xf32, #tpu.memory_space<hbm>>, %arg5: memref<8192xf32, #tpu.memory_space<hbm>>, %arg6: memref<102400xf32, #tpu.memory_space<vmem>>, %arg7: memref<256xf32, #tpu.memory_space<vmem>>, %arg8: memref<256xf32, #tpu.memory_space<vmem>>) attributes {dimension_semantics = [#tpu.dimension_semantics<core_parallel>, #tpu.dimension_semantics<subcore_parallel>], iteration_bounds = array<i64: 2, 16>, scalar_prefetch = 0 : i64, scratch_operands = 3 : i64, tpu.core_type = #tpu.core_type<sc_vector_subcore>, window_params = [{transform_indices = #map}, {transform_indices = #map}, {transform_indices = #map}, {transform_indices = #map}]} {
    %mul3A = arith.constant 2 : i32
    %mul3A_0 = arith.muli %arg1, %mul3A : i32
    %add3A = arith.addi %mul3A_0, %arg0 : i32
    "tpu.region"() ({
      %run_scoped3A = tpu.sem_alloc : memref<!tpu.dma_semaphore, #tpu.memory_space<semaphore_mem>>
      tpu.enqueue_dma source(%arg3 : memref<256xf32, #tpu.memory_space<hbm>>) target(%arg7 : memref<256xf32, #tpu.memory_space<vmem>>) target_semaphore(%run_scoped3A : memref<!tpu.dma_semaphore, #tpu.memory_space<semaphore_mem>>)
      tpu.wait_dma2 semaphore(%run_scoped3A : memref<!tpu.dma_semaphore, #tpu.memory_space<semaphore_mem>>) src(%arg3 : memref<256xf32, #tpu.memory_space<hbm>>) dst(%arg7 : memref<256xf32, #tpu.memory_space<vmem>>)
      tpu.yield
    }) : () -> ()
    %get3A = arith.constant 0 : index
    %get3A_1 = tpu.vector_load %arg7[%get3A] {strides = array<i32>} : memref<256xf32, #tpu.memory_space<vmem>>, vector<16xf32>,
    %get3A_2 = vector.shape_cast %get3A_1 : vector<16xf32> to vector<16xf32>
    %get3A_3 = arith.constant 16 : index
    %get3A_4 = tpu.vector_load %arg7[%get3A_3] {strides = array<i32>} : memref<256xf32, #tpu.memory_space<vmem>>, vector<16xf32>,
    %get3A_5 = vector.shape_cast %get3A_4 : vector<16xf32> to vector<16xf32>
    %get3A_6 = arith.constant 32 : index
    %get3A_7 = tpu.vector_load %arg7[%get3A_6] {strides = array<i32>} : memref<256xf32, #tpu.memory_space<vmem>>, vector<16xf32>,
    %get3A_8 = vector.shape_cast %get3A_7 : vector<16xf32> to vector<16xf32>
    %get3A_9 = arith.constant 48 : index
    %get3A_10 = tpu.vector_load %arg7[%get3A_9] {strides = array<i32>} : memref<256xf32, #tpu.memory_space<vmem>>, vector<16xf32>,
    %get3A_11 = vector.shape_cast %get3A_10 : vector<16xf32> to vector<16xf32>
    %get3A_12 = arith.constant 64 : index
    %get3A_13 = tpu.vector_load %arg7[%get3A_12] {strides = array<i32>} : memref<256xf32, #tpu.memory_space<vmem>>, vector<16xf32>,
    %get3A_14 = vector.shape_cast %get3A_13 : vector<16xf32> to vector<16xf32>
    %get3A_15 = arith.constant 80 : index
    %get3A_16 = tpu.vector_load %arg7[%get3A_15] {strides = array<i32>} : memref<256xf32, #tpu.memory_space<vmem>>, vector<16xf32>,
    %get3A_17 = vector.shape_cast %get3A_16 : vector<16xf32> to vector<16xf32>
    %get3A_18 = arith.constant 96 : index
    %get3A_19 = tpu.vector_load %arg7[%get3A_18] {strides = array<i32>} : memref<256xf32, #tpu.memory_space<vmem>>, vector<16xf32>,
    %get3A_20 = vector.shape_cast %get3A_19 : vector<16xf32> to vector<16xf32>
    %get3A_21 = arith.constant 112 : index
    %get3A_22 = tpu.vector_load %arg7[%get3A_21] {strides = array<i32>} : memref<256xf32, #tpu.memory_space<vmem>>, vector<16xf32>,
    %get3A_23 = vector.shape_cast %get3A_22 : vector<16xf32> to vector<16xf32>
    %get3A_24 = arith.constant 128 : index
    %get3A_25 = tpu.vector_load %arg7[%get3A_24] {strides = array<i32>} : memref<256xf32, #tpu.memory_space<vmem>>, vector<16xf32>,
    %get3A_26 = vector.shape_cast %get3A_25 : vector<16xf32> to vector<16xf32>
    %get3A_27 = arith.constant 144 : index
    %get3A_28 = tpu.vector_load %arg7[%get3A_27] {strides = array<i32>} : memref<256xf32, #tpu.memory_space<vmem>>, vector<16xf32>,
    %get3A_29 = vector.shape_cast %get3A_28 : vector<16xf32> to vector<16xf32>
    %get3A_30 = arith.constant 160 : index
    %get3A_31 = tpu.vector_load %arg7[%get3A_30] {strides = array<i32>} : memref<256xf32, #tpu.memory_space<vmem>>, vector<16xf32>,
    %get3A_32 = vector.shape_cast %get3A_31 : vector<16xf32> to vector<16xf32>
    %get3A_33 = arith.constant 176 : index
    %get3A_34 = tpu.vector_load %arg7[%get3A_33] {strides = array<i32>} : memref<256xf32, #tpu.memory_space<vmem>>, vector<16xf32>,
    %get3A_35 = vector.shape_cast %get3A_34 : vector<16xf32> to vector<16xf32>
    %get3A_36 = arith.constant 192 : index
    %get3A_37 = tpu.vector_load %arg7[%get3A_36] {strides = array<i32>} : memref<256xf32, #tpu.memory_space<vmem>>, vector<16xf32>,
    %get3A_38 = vector.shape_cast %get3A_37 : vector<16xf32> to vector<16xf32>
    %get3A_39 = arith.constant 208 : index
    %get3A_40 = tpu.vector_load %arg7[%get3A_39] {strides = array<i32>} : memref<256xf32, #tpu.memory_space<vmem>>, vector<16xf32>,
    %get3A_41 = vector.shape_cast %get3A_40 : vector<16xf32> to vector<16xf32>
    %get3A_42 = arith.constant 224 : index
    %get3A_43 = tpu.vector_load %arg7[%get3A_42] {strides = array<i32>} : memref<256xf32, #tpu.memory_space<vmem>>, vector<16xf32>,
    %get3A_44 = vector.shape_cast %get3A_43 : vector<16xf32> to vector<16xf32>
    %get3A_45 = arith.constant 240 : index
    %get3A_46 = tpu.vector_load %arg7[%get3A_45] {strides = array<i32>} : memref<256xf32, #tpu.memory_space<vmem>>, vector<16xf32>,
    %get3A_47 = vector.shape_cast %get3A_46 : vector<16xf32> to vector<16xf32>
    %broadcast_in_dim3A = arith.constant 0.000000e+00 : f32
    %broadcast_in_dim3A_48 = vector.broadcast %broadcast_in_dim3A : f32 to vector<16xf32>
    %sub3A = arith.constant 124 : i32
    %sub3A_49 = arith.subi %sub3A, %add3A : i32
    %jit3A = arith.constant 32 : i32
    %div3A = arith.divsi %sub3A_49, %jit3A : i32
    %sign3A = arith.constant 0 : i32
    %sign3A_50 = arith.cmpi sgt, %sub3A_49, %sign3A : i32
    %sign3A_51 = arith.extui %sign3A_50 : i1 to i32
    %sign3A_52 = arith.constant 0 : i32
    %sign3A_53 = arith.cmpi slt, %sub3A_49, %sign3A_52 : i32
    %sign3A_54 = arith.extui %sign3A_53 : i1 to i32
    %sign3A_55 = arith.subi %sign3A_51, %sign3A_54 : i32
    %sign3A_56 = arith.constant 0 : i32
    %sign3A_57 = arith.cmpi sgt, %jit3A, %sign3A_56 : i32
    %sign3A_58 = arith.extui %sign3A_57 : i1 to i32
    %sign3A_59 = arith.constant 0 : i32
    %sign3A_60 = arith.cmpi slt, %jit3A, %sign3A_59 : i32
    %sign3A_61 = arith.extui %sign3A_60 : i1 to i32
    %sign3A_62 = arith.subi %sign3A_58, %sign3A_61 : i32
    %ne3A = arith.cmpi ne, %sign3A_55, %sign3A_62 : i32
    %rem3A = arith.remsi %sub3A_49, %jit3A : i32
    %ne3A_63 = arith.constant 0 : i32
    %ne3A_64 = arith.cmpi ne, %rem3A, %ne3A_63 : i32
    %and3A = arith.andi %ne3A, %ne3A_64 : i1
    %sub3A_65 = arith.constant 1 : i32
    %sub3A_66 = arith.subi %div3A, %sub3A_65 : i32
    %select_n3A = arith.select %and3A, %sub3A_66, %div3A : i32
    %add3A_67 = arith.constant 1 : i32
    %add3A_68 = arith.addi %select_n3A, %add3A_67 : i32
    %while3A = arith.constant 0 : i32
    %while3A_69 = arith.subi %add3A_68, %while3A : i32
    %while3A_70 = arith.addi %while3A, %while3A_69 : i32
    %while3A_71 = arith.constant 1 : i32
    %while3A_72 = arith.divsi %while3A_69, %while3A_71 : i32
    %while3A_73 = arith.muli %while3A_72, %while3A_71 : i32
    %while3A_74 = arith.addi %while3A, %while3A_73 : i32
    %while3A_75 = arith.constant 1 : i32
    %while3A_76:16 = scf.for %while3A_144 = %while3A to %while3A_74 step %while3A_75 iter_args(%while3A_145 = %broadcast_in_dim3A_48, %while3A_146 = %broadcast_in_dim3A_48, %while3A_147 = %broadcast_in_dim3A_48, %while3A_148 = %broadcast_in_dim3A_48, %while3A_149 = %broadcast_in_dim3A_48, %while3A_150 = %broadcast_in_dim3A_48, %while3A_151 = %broadcast_in_dim3A_48, %while3A_152 = %broadcast_in_dim3A_48, %while3A_153 = %broadcast_in_dim3A_48, %while3A_154 = %broadcast_in_dim3A_48, %while3A_155 = %broadcast_in_dim3A_48, %while3A_156 = %broadcast_in_dim3A_48, %while3A_157 = %broadcast_in_dim3A_48, %while3A_158 = %broadcast_in_dim3A_48, %while3A_159 = %broadcast_in_dim3A_48, %while3A_160 = %broadcast_in_dim3A_48) -> (vector<16xf32>, vector<16xf32>, vector<16xf32>, vector<16xf32>, vector<16xf32>, vector<16xf32>, vector<16xf32>, vector<16xf32>, vector<16xf32>, vector<16xf32>, vector<16xf32>, vector<16xf32>, vector<16xf32>, vector<16xf32>, vector<16xf32>, vector<16xf32>)  : i32 {
      %mul3A_161 = arith.constant 32 : i32
      %mul3A_162 = arith.muli %mul3A_161, %while3A_144 : i32
      %add3A_163 = arith.addi %add3A, %mul3A_162 : i32
      %mul3A_164 = arith.constant 102400 : i32
      %mul3A_165 = arith.muli %add3A_163, %mul3A_164 : i32
      "tpu.region"() ({
        %run_scoped3A = tpu.sem_alloc : memref<!tpu.dma_semaphore, #tpu.memory_space<semaphore_mem>>
        %dma_start3A = tpu.memref_slice %arg2[%mul3A_165] : memref<12800000xf32, #tpu.memory_space<hbm>> -> memref<102400xf32, #tpu.memory_space<hbm>>
        %dma_start3A_171 = tpu.memref_slice %arg2[%mul3A_165] : memref<12800000xf32, #tpu.memory_space<hbm>> -> memref<102400xf32, #tpu.memory_space<hbm>>
        tpu.enqueue_dma source(%dma_start3A_171 : memref<102400xf32, #tpu.memory_space<hbm>>) target(%arg6 : memref<102400xf32, #tpu.memory_space<vmem>>) target_semaphore(%run_scoped3A : memref<!tpu.dma_semaphore, #tpu.memory_space<semaphore_mem>>)
        %dma_wait3A = tpu.memref_slice %arg2[%mul3A_165] : memref<12800000xf32, #tpu.memory_space<hbm>> -> memref<102400xf32, #tpu.memory_space<hbm>>
        %dma_wait3A_172 = tpu.memref_slice %arg2[%mul3A_165] : memref<12800000xf32, #tpu.memory_space<hbm>> -> memref<102400xf32, #tpu.memory_space<hbm>>
        tpu.wait_dma2 semaphore(%run_scoped3A : memref<!tpu.dma_semaphore, #tpu.memory_space<semaphore_mem>>) src(%dma_wait3A_172 : memref<102400xf32, #tpu.memory_space<hbm>>) dst(%arg6 : memref<102400xf32, #tpu.memory_space<vmem>>)
        tpu.yield
      }) : () -> ()
      %scan3A = arith.constant 0 : i32
      %scan3A_166 = arith.constant 400 : i32
      %scan3A_167 = arith.addi %scan3A, %scan3A_166 : i32
      %scan3A_168 = arith.constant 1 : i32
      %scan3A_169:16 = scf.for %scan3A_171 = %scan3A to %scan3A_167 step %scan3A_168 iter_args(%scan3A_172 = %while3A_145, %scan3A_173 = %while3A_146, %scan3A_174 = %while3A_147, %scan3A_175 = %while3A_148, %scan3A_176 = %while3A_149, %scan3A_177 = %while3A_150, %scan3A_178 = %while3A_151, %scan3A_179 = %while3A_152, %scan3A_180 = %while3A_153, %scan3A_181 = %while3A_154, %scan3A_182 = %while3A_155, %scan3A_183 = %while3A_156, %scan3A_184 = %while3A_157, %scan3A_185 = %while3A_158, %scan3A_186 = %while3A_159, %scan3A_187 = %while3A_160) -> (vector<16xf32>, vector<16xf32>, vector<16xf32>, vector<16xf32>, vector<16xf32>, vector<16xf32>, vector<16xf32>, vector<16xf32>, vector<16xf32>, vector<16xf32>, vector<16xf32>, vector<16xf32>, vector<16xf32>, vector<16xf32>, vector<16xf32>, vector<16xf32>)  : i32 {
        %mul3A_188 = arith.constant 256 : i32
        %mul3A_189 = arith.muli %scan3A_171, %mul3A_188 : i32
        %add3A_190 = arith.constant 0 : i32
        %add3A_191 = arith.addi %mul3A_189, %add3A_190 : i32
        %get3A_192 = arith.index_cast %add3A_191 : i32 to index
        %get3A_193 = tpu.vector_load %arg6[%get3A_192] {strides = array<i32>} : memref<102400xf32, #tpu.memory_space<vmem>>, vector<16xf32>,
        %get3A_194 = vector.shape_cast %get3A_193 : vector<16xf32> to vector<16xf32>
        %add3A_195 = arith.addf %get3A_194, %get3A_2 : vector<16xf32>
        %add3A_196 = arith.constant 0 : i32
        %add3A_197 = arith.addi %mul3A_189, %add3A_196 : i32
        %swap3A_198 = arith.index_cast %add3A_197 : i32 to index
        %swap3A_199 = tpu.vector_load %arg6[%swap3A_198] {strides = array<i32>} : memref<102400xf32, #tpu.memory_space<vmem>>, vector<16xf32>,
        %swap3A_200 = vector.shape_cast %swap3A_199 : vector<16xf32> to vector<16xf32>
        %swap3A_201 = vector.shape_cast %add3A_195 : vector<16xf32> to vector<16xf32>
        tpu.vector_store %arg6[%swap3A_198], %swap3A_201 {strides = array<i32>} : memref<102400xf32, #tpu.memory_space<vmem>>, vector<16xf32>,
        %add3A_202 = arith.addf %scan3A_172, %add3A_195 : vector<16xf32>
        %add3A_203 = arith.constant 16 : i32
        %add3A_204 = arith.addi %mul3A_189, %add3A_203 : i32
        %get3A_205 = arith.index_cast %add3A_204 : i32 to index
        %get3A_206 = tpu.vector_load %arg6[%get3A_205] {strides = array<i32>} : memref<102400xf32, #tpu.memory_space<vmem>>, vector<16xf32>,
        %get3A_207 = vector.shape_cast %get3A_206 : vector<16xf32> to vector<16xf32>
        %add3A_208 = arith.addf %get3A_207, %get3A_5 : vector<16xf32>
        %add3A_209 = arith.constant 16 : i32
        %add3A_210 = arith.addi %mul3A_189, %add3A_209 : i32
        %swap3A_211 = arith.index_cast %add3A_210 : i32 to index
        %swap3A_212 = tpu.vector_load %arg6[%swap3A_211] {strides = array<i32>} : memref<102400xf32, #tpu.memory_space<vmem>>, vector<16xf32>,
        %swap3A_213 = vector.shape_cast %swap3A_212 : vector<16xf32> to vector<16xf32>
        %swap3A_214 = vector.shape_cast %add3A_208 : vector<16xf32> to vector<16xf32>
        tpu.vector_store %arg6[%swap3A_211], %swap3A_214 {strides = array<i32>} : memref<102400xf32, #tpu.memory_space<vmem>>, vector<16xf32>,
        %add3A_215 = arith.addf %scan3A_173, %add3A_208 : vector<16xf32>
        %add3A_216 = arith.constant 32 : i32
        %add3A_217 = arith.addi %mul3A_189, %add3A_216 : i32
        %get3A_218 = arith.index_cast %add3A_217 : i32 to index
        %get3A_219 = tpu.vector_load %arg6[%get3A_218] {strides = array<i32>} : memref<102400xf32, #tpu.memory_space<vmem>>, vector<16xf32>,
        %get3A_220 = vector.shape_cast %get3A_219 : vector<16xf32> to vector<16xf32>
        %add3A_221 = arith.addf %get3A_220, %get3A_8 : vector<16xf32>
        %add3A_222 = arith.constant 32 : i32
        %add3A_223 = arith.addi %mul3A_189, %add3A_222 : i32
        %swap3A_224 = arith.index_cast %add3A_223 : i32 to index
        %swap3A_225 = tpu.vector_load %arg6[%swap3A_224] {strides = array<i32>} : memref<102400xf32, #tpu.memory_space<vmem>>, vector<16xf32>,
        %swap3A_226 = vector.shape_cast %swap3A_225 : vector<16xf32> to vector<16xf32>
        %swap3A_227 = vector.shape_cast %add3A_221 : vector<16xf32> to vector<16xf32>
        tpu.vector_store %arg6[%swap3A_224], %swap3A_227 {strides = array<i32>} : memref<102400xf32, #tpu.memory_space<vmem>>, vector<16xf32>,
        %add3A_228 = arith.addf %scan3A_174, %add3A_221 : vector<16xf32>
        %add3A_229 = arith.constant 48 : i32
        %add3A_230 = arith.addi %mul3A_189, %add3A_229 : i32
        %get3A_231 = arith.index_cast %add3A_230 : i32 to index
        %get3A_232 = tpu.vector_load %arg6[%get3A_231] {strides = array<i32>} : memref<102400xf32, #tpu.memory_space<vmem>>, vector<16xf32>,
        %get3A_233 = vector.shape_cast %get3A_232 : vector<16xf32> to vector<16xf32>
        %add3A_234 = arith.addf %get3A_233, %get3A_11 : vector<16xf32>
        %add3A_235 = arith.constant 48 : i32
        %add3A_236 = arith.addi %mul3A_189, %add3A_235 : i32
        %swap3A_237 = arith.index_cast %add3A_236 : i32 to index
        %swap3A_238 = tpu.vector_load %arg6[%swap3A_237] {strides = array<i32>} : memref<102400xf32, #tpu.memory_space<vmem>>, vector<16xf32>,
        %swap3A_239 = vector.shape_cast %swap3A_238 : vector<16xf32> to vector<16xf32>
        %swap3A_240 = vector.shape_cast %add3A_234 : vector<16xf32> to vector<16xf32>
        tpu.vector_store %arg6[%swap3A_237], %swap3A_240 {strides = array<i32>} : memref<102400xf32, #tpu.memory_space<vmem>>, vector<16xf32>,
        %add3A_241 = arith.addf %scan3A_175, %add3A_234 : vector<16xf32>
        %add3A_242 = arith.constant 64 : i32
        %add3A_243 = arith.addi %mul3A_189, %add3A_242 : i32
        %get3A_244 = arith.index_cast %add3A_243 : i32 to index
        %get3A_245 = tpu.vector_load %arg6[%get3A_244] {strides = array<i32>} : memref<102400xf32, #tpu.memory_space<vmem>>, vector<16xf32>,
        %get3A_246 = vector.shape_cast %get3A_245 : vector<16xf32> to vector<16xf32>
        %add3A_247 = arith.addf %get3A_246, %get3A_14 : vector<16xf32>
        %add3A_248 = arith.constant 64 : i32
        %add3A_249 = arith.addi %mul3A_189, %add3A_248 : i32
        %swap3A_250 = arith.index_cast %add3A_249 : i32 to index
        %swap3A_251 = tpu.vector_load %arg6[%swap3A_250] {strides = array<i32>} : memref<102400xf32, #tpu.memory_space<vmem>>, vector<16xf32>,
        %swap3A_252 = vector.shape_cast %swap3A_251 : vector<16xf32> to vector<16xf32>
        %swap3A_253 = vector.shape_cast %add3A_247 : vector<16xf32> to vector<16xf32>
        tpu.vector_store %arg6[%swap3A_250], %swap3A_253 {strides = array<i32>} : memref<102400xf32, #tpu.memory_space<vmem>>, vector<16xf32>,
        %add3A_254 = arith.addf %scan3A_176, %add3A_247 : vector<16xf32>
        %add3A_255 = arith.constant 80 : i32
        %add3A_256 = arith.addi %mul3A_189, %add3A_255 : i32
        %get3A_257 = arith.index_cast %add3A_256 : i32 to index
        %get3A_258 = tpu.vector_load %arg6[%get3A_257] {strides = array<i32>} : memref<102400xf32, #tpu.memory_space<vmem>>, vector<16xf32>,
        %get3A_259 = vector.shape_cast %get3A_258 : vector<16xf32> to vector<16xf32>
        %add3A_260 = arith.addf %get3A_259, %get3A_17 : vector<16xf32>
        %add3A_261 = arith.constant 80 : i32
        %add3A_262 = arith.addi %mul3A_189, %add3A_261 : i32
        %swap3A_263 = arith.index_cast %add3A_262 : i32 to index
        %swap3A_264 = tpu.vector_load %arg6[%swap3A_263] {strides = array<i32>} : memref<102400xf32, #tpu.memory_space<vmem>>, vector<16xf32>,
        %swap3A_265 = vector.shape_cast %swap3A_264 : vector<16xf32> to vector<16xf32>
        %swap3A_266 = vector.shape_cast %add3A_260 : vector<16xf32> to vector<16xf32>
        tpu.vector_store %arg6[%swap3A_263], %swap3A_266 {strides = array<i32>} : memref<102400xf32, #tpu.memory_space<vmem>>, vector<16xf32>,
        %add3A_267 = arith.addf %scan3A_177, %add3A_260 : vector<16xf32>
        %add3A_268 = arith.constant 96 : i32
        %add3A_269 = arith.addi %mul3A_189, %add3A_268 : i32
        %get3A_270 = arith.index_cast %add3A_269 : i32 to index
        %get3A_271 = tpu.vector_load %arg6[%get3A_270] {strides = array<i32>} : memref<102400xf32, #tpu.memory_space<vmem>>, vector<16xf32>,
        %get3A_272 = vector.shape_cast %get3A_271 : vector<16xf32> to vector<16xf32>
        %add3A_273 = arith.addf %get3A_272, %get3A_20 : vector<16xf32>
        %add3A_274 = arith.constant 96 : i32
        %add3A_275 = arith.addi %mul3A_189, %add3A_274 : i32
        %swap3A_276 = arith.index_cast %add3A_275 : i32 to index
        %swap3A_277 = tpu.vector_load %arg6[%swap3A_276] {strides = array<i32>} : memref<102400xf32, #tpu.memory_space<vmem>>, vector<16xf32>,
        %swap3A_278 = vector.shape_cast %swap3A_277 : vector<16xf32> to vector<16xf32>
        %swap3A_279 = vector.shape_cast %add3A_273 : vector<16xf32> to vector<16xf32>
        tpu.vector_store %arg6[%swap3A_276], %swap3A_279 {strides = array<i32>} : memref<102400xf32, #tpu.memory_space<vmem>>, vector<16xf32>,
        %add3A_280 = arith.addf %scan3A_178, %add3A_273 : vector<16xf32>
        %add3A_281 = arith.constant 112 : i32
        %add3A_282 = arith.addi %mul3A_189, %add3A_281 : i32
        %get3A_283 = arith.index_cast %add3A_282 : i32 to index
        %get3A_284 = tpu.vector_load %arg6[%get3A_283] {strides = array<i32>} : memref<102400xf32, #tpu.memory_space<vmem>>, vector<16xf32>,
        %get3A_285 = vector.shape_cast %get3A_284 : vector<16xf32> to vector<16xf32>
        %add3A_286 = arith.addf %get3A_285, %get3A_23 : vector<16xf32>
        %add3A_287 = arith.constant 112 : i32
        %add3A_288 = arith.addi %mul3A_189, %add3A_287 : i32
        %swap3A_289 = arith.index_cast %add3A_288 : i32 to index
        %swap3A_290 = tpu.vector_load %arg6[%swap3A_289] {strides = array<i32>} : memref<102400xf32, #tpu.memory_space<vmem>>, vector<16xf32>,
        %swap3A_291 = vector.shape_cast %swap3A_290 : vector<16xf32> to vector<16xf32>
        %swap3A_292 = vector.shape_cast %add3A_286 : vector<16xf32> to vector<16xf32>
        tpu.vector_store %arg6[%swap3A_289], %swap3A_292 {strides = array<i32>} : memref<102400xf32, #tpu.memory_space<vmem>>, vector<16xf32>,
        %add3A_293 = arith.addf %scan3A_179, %add3A_286 : vector<16xf32>
        %add3A_294 = arith.constant 128 : i32
        %add3A_295 = arith.addi %mul3A_189, %add3A_294 : i32
        %get3A_296 = arith.index_cast %add3A_295 : i32 to index
        %get3A_297 = tpu.vector_load %arg6[%get3A_296] {strides = array<i32>} : memref<102400xf32, #tpu.memory_space<vmem>>, vector<16xf32>,
        %get3A_298 = vector.shape_cast %get3A_297 : vector<16xf32> to vector<16xf32>
        %add3A_299 = arith.addf %get3A_298, %get3A_26 : vector<16xf32>
        %add3A_300 = arith.constant 128 : i32
        %add3A_301 = arith.addi %mul3A_189, %add3A_300 : i32
        %swap3A_302 = arith.index_cast %add3A_301 : i32 to index
        %swap3A_303 = tpu.vector_load %arg6[%swap3A_302] {strides = array<i32>} : memref<102400xf32, #tpu.memory_space<vmem>>, vector<16xf32>,
        %swap3A_304 = vector.shape_cast %swap3A_303 : vector<16xf32> to vector<16xf32>
        %swap3A_305 = vector.shape_cast %add3A_299 : vector<16xf32> to vector<16xf32>
        tpu.vector_store %arg6[%swap3A_302], %swap3A_305 {strides = array<i32>} : memref<102400xf32, #tpu.memory_space<vmem>>, vector<16xf32>,
        %add3A_306 = arith.addf %scan3A_180, %add3A_299 : vector<16xf32>
        %add3A_307 = arith.constant 144 : i32
        %add3A_308 = arith.addi %mul3A_189, %add3A_307 : i32
        %get3A_309 = arith.index_cast %add3A_308 : i32 to index
        %get3A_310 = tpu.vector_load %arg6[%get3A_309] {strides = array<i32>} : memref<102400xf32, #tpu.memory_space<vmem>>, vector<16xf32>,
        %get3A_311 = vector.shape_cast %get3A_310 : vector<16xf32> to vector<16xf32>
        %add3A_312 = arith.addf %get3A_311, %get3A_29 : vector<16xf32>
        %add3A_313 = arith.constant 144 : i32
        %add3A_314 = arith.addi %mul3A_189, %add3A_313 : i32
        %swap3A_315 = arith.index_cast %add3A_314 : i32 to index
        %swap3A_316 = tpu.vector_load %arg6[%swap3A_315] {strides = array<i32>} : memref<102400xf32, #tpu.memory_space<vmem>>, vector<16xf32>,
        %swap3A_317 = vector.shape_cast %swap3A_316 : vector<16xf32> to vector<16xf32>
        %swap3A_318 = vector.shape_cast %add3A_312 : vector<16xf32> to vector<16xf32>
        tpu.vector_store %arg6[%swap3A_315], %swap3A_318 {strides = array<i32>} : memref<102400xf32, #tpu.memory_space<vmem>>, vector<16xf32>,
        %add3A_319 = arith.addf %scan3A_181, %add3A_312 : vector<16xf32>
        %add3A_320 = arith.constant 160 : i32
        %add3A_321 = arith.addi %mul3A_189, %add3A_320 : i32
        %get3A_322 = arith.index_cast %add3A_321 : i32 to index
        %get3A_323 = tpu.vector_load %arg6[%get3A_322] {strides = array<i32>} : memref<102400xf32, #tpu.memory_space<vmem>>, vector<16xf32>,
        %get3A_324 = vector.shape_cast %get3A_323 : vector<16xf32> to vector<16xf32>
        %add3A_325 = arith.addf %get3A_324, %get3A_32 : vector<16xf32>
        %add3A_326 = arith.constant 160 : i32
        %add3A_327 = arith.addi %mul3A_189, %add3A_326 : i32
        %swap3A_328 = arith.index_cast %add3A_327 : i32 to index
        %swap3A_329 = tpu.vector_load %arg6[%swap3A_328] {strides = array<i32>} : memref<102400xf32, #tpu.memory_space<vmem>>, vector<16xf32>,
        %swap3A_330 = vector.shape_cast %swap3A_329 : vector<16xf32> to vector<16xf32>
        %swap3A_331 = vector.shape_cast %add3A_325 : vector<16xf32> to vector<16xf32>
        tpu.vector_store %arg6[%swap3A_328], %swap3A_331 {strides = array<i32>} : memref<102400xf32, #tpu.memory_space<vmem>>, vector<16xf32>,
        %add3A_332 = arith.addf %scan3A_182, %add3A_325 : vector<16xf32>
        %add3A_333 = arith.constant 176 : i32
        %add3A_334 = arith.addi %mul3A_189, %add3A_333 : i32
        %get3A_335 = arith.index_cast %add3A_334 : i32 to index
        %get3A_336 = tpu.vector_load %arg6[%get3A_335] {strides = array<i32>} : memref<102400xf32, #tpu.memory_space<vmem>>, vector<16xf32>,
        %get3A_337 = vector.shape_cast %get3A_336 : vector<16xf32> to vector<16xf32>
        %add3A_338 = arith.addf %get3A_337, %get3A_35 : vector<16xf32>
        %add3A_339 = arith.constant 176 : i32
        %add3A_340 = arith.addi %mul3A_189, %add3A_339 : i32
        %swap3A_341 = arith.index_cast %add3A_340 : i32 to index
        %swap3A_342 = tpu.vector_load %arg6[%swap3A_341] {strides = array<i32>} : memref<102400xf32, #tpu.memory_space<vmem>>, vector<16xf32>,
        %swap3A_343 = vector.shape_cast %swap3A_342 : vector<16xf32> to vector<16xf32>
        %swap3A_344 = vector.shape_cast %add3A_338 : vector<16xf32> to vector<16xf32>
        tpu.vector_store %arg6[%swap3A_341], %swap3A_344 {strides = array<i32>} : memref<102400xf32, #tpu.memory_space<vmem>>, vector<16xf32>,
        %add3A_345 = arith.addf %scan3A_183, %add3A_338 : vector<16xf32>
        %add3A_346 = arith.constant 192 : i32
        %add3A_347 = arith.addi %mul3A_189, %add3A_346 : i32
        %get3A_348 = arith.index_cast %add3A_347 : i32 to index
        %get3A_349 = tpu.vector_load %arg6[%get3A_348] {strides = array<i32>} : memref<102400xf32, #tpu.memory_space<vmem>>, vector<16xf32>,
        %get3A_350 = vector.shape_cast %get3A_349 : vector<16xf32> to vector<16xf32>
        %add3A_351 = arith.addf %get3A_350, %get3A_38 : vector<16xf32>
        %add3A_352 = arith.constant 192 : i32
        %add3A_353 = arith.addi %mul3A_189, %add3A_352 : i32
        %swap3A_354 = arith.index_cast %add3A_353 : i32 to index
        %swap3A_355 = tpu.vector_load %arg6[%swap3A_354] {strides = array<i32>} : memref<102400xf32, #tpu.memory_space<vmem>>, vector<16xf32>,
        %swap3A_356 = vector.shape_cast %swap3A_355 : vector<16xf32> to vector<16xf32>
        %swap3A_357 = vector.shape_cast %add3A_351 : vector<16xf32> to vector<16xf32>
        tpu.vector_store %arg6[%swap3A_354], %swap3A_357 {strides = array<i32>} : memref<102400xf32, #tpu.memory_space<vmem>>, vector<16xf32>,
        %add3A_358 = arith.addf %scan3A_184, %add3A_351 : vector<16xf32>
        %add3A_359 = arith.constant 208 : i32
        %add3A_360 = arith.addi %mul3A_189, %add3A_359 : i32
        %get3A_361 = arith.index_cast %add3A_360 : i32 to index
        %get3A_362 = tpu.vector_load %arg6[%get3A_361] {strides = array<i32>} : memref<102400xf32, #tpu.memory_space<vmem>>, vector<16xf32>,
        %get3A_363 = vector.shape_cast %get3A_362 : vector<16xf32> to vector<16xf32>
        %add3A_364 = arith.addf %get3A_363, %get3A_41 : vector<16xf32>
        %add3A_365 = arith.constant 208 : i32
        %add3A_366 = arith.addi %mul3A_189, %add3A_365 : i32
        %swap3A_367 = arith.index_cast %add3A_366 : i32 to index
        %swap3A_368 = tpu.vector_load %arg6[%swap3A_367] {strides = array<i32>} : memref<102400xf32, #tpu.memory_space<vmem>>, vector<16xf32>,
        %swap3A_369 = vector.shape_cast %swap3A_368 : vector<16xf32> to vector<16xf32>
        %swap3A_370 = vector.shape_cast %add3A_364 : vector<16xf32> to vector<16xf32>
        tpu.vector_store %arg6[%swap3A_367], %swap3A_370 {strides = array<i32>} : memref<102400xf32, #tpu.memory_space<vmem>>, vector<16xf32>,
        %add3A_371 = arith.addf %scan3A_185, %add3A_364 : vector<16xf32>
        %add3A_372 = arith.constant 224 : i32
        %add3A_373 = arith.addi %mul3A_189, %add3A_372 : i32
        %get3A_374 = arith.index_cast %add3A_373 : i32 to index
        %get3A_375 = tpu.vector_load %arg6[%get3A_374] {strides = array<i32>} : memref<102400xf32, #tpu.memory_space<vmem>>, vector<16xf32>,
        %get3A_376 = vector.shape_cast %get3A_375 : vector<16xf32> to vector<16xf32>
        %add3A_377 = arith.addf %get3A_376, %get3A_44 : vector<16xf32>
        %add3A_378 = arith.constant 224 : i32
        %add3A_379 = arith.addi %mul3A_189, %add3A_378 : i32
        %swap3A_380 = arith.index_cast %add3A_379 : i32 to index
        %swap3A_381 = tpu.vector_load %arg6[%swap3A_380] {strides = array<i32>} : memref<102400xf32, #tpu.memory_space<vmem>>, vector<16xf32>,
        %swap3A_382 = vector.shape_cast %swap3A_381 : vector<16xf32> to vector<16xf32>
        %swap3A_383 = vector.shape_cast %add3A_377 : vector<16xf32> to vector<16xf32>
        tpu.vector_store %arg6[%swap3A_380], %swap3A_383 {strides = array<i32>} : memref<102400xf32, #tpu.memory_space<vmem>>, vector<16xf32>,
        %add3A_384 = arith.addf %scan3A_186, %add3A_377 : vector<16xf32>
        %add3A_385 = arith.constant 240 : i32
        %add3A_386 = arith.addi %mul3A_189, %add3A_385 : i32
        %get3A_387 = arith.index_cast %add3A_386 : i32 to index
        %get3A_388 = tpu.vector_load %arg6[%get3A_387] {strides = array<i32>} : memref<102400xf32, #tpu.memory_space<vmem>>, vector<16xf32>,
        %get3A_389 = vector.shape_cast %get3A_388 : vector<16xf32> to vector<16xf32>
        %add3A_390 = arith.addf %get3A_389, %get3A_47 : vector<16xf32>
        %add3A_391 = arith.constant 240 : i32
        %add3A_392 = arith.addi %mul3A_189, %add3A_391 : i32
        %swap3A_393 = arith.index_cast %add3A_392 : i32 to index
        %swap3A_394 = tpu.vector_load %arg6[%swap3A_393] {strides = array<i32>} : memref<102400xf32, #tpu.memory_space<vmem>>, vector<16xf32>,
        %swap3A_395 = vector.shape_cast %swap3A_394 : vector<16xf32> to vector<16xf32>
        %swap3A_396 = vector.shape_cast %add3A_390 : vector<16xf32> to vector<16xf32>
        tpu.vector_store %arg6[%swap3A_393], %swap3A_396 {strides = array<i32>} : memref<102400xf32, #tpu.memory_space<vmem>>, vector<16xf32>,
        %add3A_397 = arith.addf %scan3A_187, %add3A_390 : vector<16xf32>
        scf.yield %add3A_202, %add3A_215, %add3A_228, %add3A_241, %add3A_254, %add3A_267, %add3A_280, %add3A_293, %add3A_306, %add3A_319, %add3A_332, %add3A_345, %add3A_358, %add3A_371, %add3A_384, %add3A_397 : vector<16xf32>, vector<16xf32>, vector<16xf32>, vector<16xf32>, vector<16xf32>, vector<16xf32>, vector<16xf32>, vector<16xf32>, vector<16xf32>, vector<16xf32>, vector<16xf32>, vector<16xf32>, vector<16xf32>, vector<16xf32>, vector<16xf32>, vector<16xf32>
      }
      %scan3A_170 = arith.constant 400 : i32
      "tpu.region"() ({
        %run_scoped3A = tpu.sem_alloc : memref<!tpu.dma_semaphore, #tpu.memory_space<semaphore_mem>>
        %dma_start3A = tpu.memref_slice %arg4[%mul3A_165] : memref<12800000xf32, #tpu.memory_space<hbm>> -> memref<102400xf32, #tpu.memory_space<hbm>>
        %dma_start3A_171 = tpu.memref_slice %arg4[%mul3A_165] : memref<12800000xf32, #tpu.memory_space<hbm>> -> memref<102400xf32, #tpu.memory_space<hbm>>
        tpu.enqueue_dma source(%arg6 : memref<102400xf32, #tpu.memory_space<vmem>>) target(%dma_start3A_171 : memref<102400xf32, #tpu.memory_space<hbm>>) target_semaphore(%run_scoped3A : memref<!tpu.dma_semaphore, #tpu.memory_space<semaphore_mem>>)
        %dma_wait3A = tpu.memref_slice %arg4[%mul3A_165] : memref<12800000xf32, #tpu.memory_space<hbm>> -> memref<102400xf32, #tpu.memory_space<hbm>>
        %dma_wait3A_172 = tpu.memref_slice %arg4[%mul3A_165] : memref<12800000xf32, #tpu.memory_space<hbm>> -> memref<102400xf32, #tpu.memory_space<hbm>>
        tpu.wait_dma2 semaphore(%run_scoped3A : memref<!tpu.dma_semaphore, #tpu.memory_space<semaphore_mem>>) src(%arg6 : memref<102400xf32, #tpu.memory_space<vmem>>) dst(%dma_wait3A_172 : memref<102400xf32, #tpu.memory_space<hbm>>)
        tpu.yield
      }) : () -> ()
      scf.yield %scan3A_169#0, %scan3A_169#1, %scan3A_169#2, %scan3A_169#3, %scan3A_169#4, %scan3A_169#5, %scan3A_169#6, %scan3A_169#7, %scan3A_169#8, %scan3A_169#9, %scan3A_169#10, %scan3A_169#11, %scan3A_169#12, %scan3A_169#13, %scan3A_169#14, %scan3A_169#15 : vector<16xf32>, vector<16xf32>, vector<16xf32>, vector<16xf32>, vector<16xf32>, vector<16xf32>, vector<16xf32>, vector<16xf32>, vector<16xf32>, vector<16xf32>, vector<16xf32>, vector<16xf32>, vector<16xf32>, vector<16xf32>, vector<16xf32>, vector<16xf32>
    }
    %while3A_77 = arith.constant 1 : i32
    %while3A_78:16 = scf.for %while3A_144 = %while3A_74 to %while3A_70 step %while3A_77 iter_args(%while3A_145 = %while3A_76#0, %while3A_146 = %while3A_76#1, %while3A_147 = %while3A_76#2, %while3A_148 = %while3A_76#3, %while3A_149 = %while3A_76#4, %while3A_150 = %while3A_76#5, %while3A_151 = %while3A_76#6, %while3A_152 = %while3A_76#7, %while3A_153 = %while3A_76#8, %while3A_154 = %while3A_76#9, %while3A_155 = %while3A_76#10, %while3A_156 = %while3A_76#11, %while3A_157 = %while3A_76#12, %while3A_158 = %while3A_76#13, %while3A_159 = %while3A_76#14, %while3A_160 = %while3A_76#15) -> (vector<16xf32>, vector<16xf32>, vector<16xf32>, vector<16xf32>, vector<16xf32>, vector<16xf32>, vector<16xf32>, vector<16xf32>, vector<16xf32>, vector<16xf32>, vector<16xf32>, vector<16xf32>, vector<16xf32>, vector<16xf32>, vector<16xf32>, vector<16xf32>)  : i32 {
      %mul3A_161 = arith.constant 32 : i32
      %mul3A_162 = arith.muli %mul3A_161, %while3A_144 : i32
      %add3A_163 = arith.addi %add3A, %mul3A_162 : i32
      %mul3A_164 = arith.constant 102400 : i32
      %mul3A_165 = arith.muli %add3A_163, %mul3A_164 : i32
      "tpu.region"() ({
        %run_scoped3A = tpu.sem_alloc : memref<!tpu.dma_semaphore, #tpu.memory_space<semaphore_mem>>
        %dma_start3A = tpu.memref_slice %arg2[%mul3A_165] : memref<12800000xf32, #tpu.memory_space<hbm>> -> memref<102400xf32, #tpu.memory_space<hbm>>
        %dma_start3A_171 = tpu.memref_slice %arg2[%mul3A_165] : memref<12800000xf32, #tpu.memory_space<hbm>> -> memref<102400xf32, #tpu.memory_space<hbm>>
        tpu.enqueue_dma source(%dma_start3A_171 : memref<102400xf32, #tpu.memory_space<hbm>>) target(%arg6 : memref<102400xf32, #tpu.memory_space<vmem>>) target_semaphore(%run_scoped3A : memref<!tpu.dma_semaphore, #tpu.memory_space<semaphore_mem>>)
        %dma_wait3A = tpu.memref_slice %arg2[%mul3A_165] : memref<12800000xf32, #tpu.memory_space<hbm>> -> memref<102400xf32, #tpu.memory_space<hbm>>
        %dma_wait3A_172 = tpu.memref_slice %arg2[%mul3A_165] : memref<12800000xf32, #tpu.memory_space<hbm>> -> memref<102400xf32, #tpu.memory_space<hbm>>
        tpu.wait_dma2 semaphore(%run_scoped3A : memref<!tpu.dma_semaphore, #tpu.memory_space<semaphore_mem>>) src(%dma_wait3A_172 : memref<102400xf32, #tpu.memory_space<hbm>>) dst(%arg6 : memref<102400xf32, #tpu.memory_space<vmem>>)
        tpu.yield
      }) : () -> ()
      %scan3A = arith.constant 0 : i32
      %scan3A_166 = arith.constant 400 : i32
      %scan3A_167 = arith.addi %scan3A, %scan3A_166 : i32
      %scan3A_168 = arith.constant 1 : i32
      %scan3A_169:16 = scf.for %scan3A_171 = %scan3A to %scan3A_167 step %scan3A_168 iter_args(%scan3A_172 = %while3A_145, %scan3A_173 = %while3A_146, %scan3A_174 = %while3A_147, %scan3A_175 = %while3A_148, %scan3A_176 = %while3A_149, %scan3A_177 = %while3A_150, %scan3A_178 = %while3A_151, %scan3A_179 = %while3A_152, %scan3A_180 = %while3A_153, %scan3A_181 = %while3A_154, %scan3A_182 = %while3A_155, %scan3A_183 = %while3A_156, %scan3A_184 = %while3A_157, %scan3A_185 = %while3A_158, %scan3A_186 = %while3A_159, %scan3A_187 = %while3A_160) -> (vector<16xf32>, vector<16xf32>, vector<16xf32>, vector<16xf32>, vector<16xf32>, vector<16xf32>, vector<16xf32>, vector<16xf32>, vector<16xf32>, vector<16xf32>, vector<16xf32>, vector<16xf32>, vector<16xf32>, vector<16xf32>, vector<16xf32>, vector<16xf32>)  : i32 {
        %mul3A_188 = arith.constant 256 : i32
        %mul3A_189 = arith.muli %scan3A_171, %mul3A_188 : i32
        %add3A_190 = arith.constant 0 : i32
        %add3A_191 = arith.addi %mul3A_189, %add3A_190 : i32
        %get3A_192 = arith.index_cast %add3A_191 : i32 to index
        %get3A_193 = tpu.vector_load %arg6[%get3A_192] {strides = array<i32>} : memref<102400xf32, #tpu.memory_space<vmem>>, vector<16xf32>,
        %get3A_194 = vector.shape_cast %get3A_193 : vector<16xf32> to vector<16xf32>
        %add3A_195 = arith.addf %get3A_194, %get3A_2 : vector<16xf32>
        %add3A_196 = arith.constant 0 : i32
        %add3A_197 = arith.addi %mul3A_189, %add3A_196 : i32
        %swap3A_198 = arith.index_cast %add3A_197 : i32 to index
        %swap3A_199 = tpu.vector_load %arg6[%swap3A_198] {strides = array<i32>} : memref<102400xf32, #tpu.memory_space<vmem>>, vector<16xf32>,
        %swap3A_200 = vector.shape_cast %swap3A_199 : vector<16xf32> to vector<16xf32>
        %swap3A_201 = vector.shape_cast %add3A_195 : vector<16xf32> to vector<16xf32>
        tpu.vector_store %arg6[%swap3A_198], %swap3A_201 {strides = array<i32>} : memref<102400xf32, #tpu.memory_space<vmem>>, vector<16xf32>,
        %add3A_202 = arith.addf %scan3A_172, %add3A_195 : vector<16xf32>
        %add3A_203 = arith.constant 16 : i32
        %add3A_204 = arith.addi %mul3A_189, %add3A_203 : i32
        %get3A_205 = arith.index_cast %add3A_204 : i32 to index
        %get3A_206 = tpu.vector_load %arg6[%get3A_205] {strides = array<i32>} : memref<102400xf32, #tpu.memory_space<vmem>>, vector<16xf32>,
        %get3A_207 = vector.shape_cast %get3A_206 : vector<16xf32> to vector<16xf32>
        %add3A_208 = arith.addf %get3A_207, %get3A_5 : vector<16xf32>
        %add3A_209 = arith.constant 16 : i32
        %add3A_210 = arith.addi %mul3A_189, %add3A_209 : i32
        %swap3A_211 = arith.index_cast %add3A_210 : i32 to index
        %swap3A_212 = tpu.vector_load %arg6[%swap3A_211] {strides = array<i32>} : memref<102400xf32, #tpu.memory_space<vmem>>, vector<16xf32>,
        %swap3A_213 = vector.shape_cast %swap3A_212 : vector<16xf32> to vector<16xf32>
        %swap3A_214 = vector.shape_cast %add3A_208 : vector<16xf32> to vector<16xf32>
        tpu.vector_store %arg6[%swap3A_211], %swap3A_214 {strides = array<i32>} : memref<102400xf32, #tpu.memory_space<vmem>>, vector<16xf32>,
        %add3A_215 = arith.addf %scan3A_173, %add3A_208 : vector<16xf32>
        %add3A_216 = arith.constant 32 : i32
        %add3A_217 = arith.addi %mul3A_189, %add3A_216 : i32
        %get3A_218 = arith.index_cast %add3A_217 : i32 to index
        %get3A_219 = tpu.vector_load %arg6[%get3A_218] {strides = array<i32>} : memref<102400xf32, #tpu.memory_space<vmem>>, vector<16xf32>,
        %get3A_220 = vector.shape_cast %get3A_219 : vector<16xf32> to vector<16xf32>
        %add3A_221 = arith.addf %get3A_220, %get3A_8 : vector<16xf32>
        %add3A_222 = arith.constant 32 : i32
        %add3A_223 = arith.addi %mul3A_189, %add3A_222 : i32
        %swap3A_224 = arith.index_cast %add3A_223 : i32 to index
        %swap3A_225 = tpu.vector_load %arg6[%swap3A_224] {strides = array<i32>} : memref<102400xf32, #tpu.memory_space<vmem>>, vector<16xf32>,
        %swap3A_226 = vector.shape_cast %swap3A_225 : vector<16xf32> to vector<16xf32>
        %swap3A_227 = vector.shape_cast %add3A_221 : vector<16xf32> to vector<16xf32>
        tpu.vector_store %arg6[%swap3A_224], %swap3A_227 {strides = array<i32>} : memref<102400xf32, #tpu.memory_space<vmem>>, vector<16xf32>,
        %add3A_228 = arith.addf %scan3A_174, %add3A_221 : vector<16xf32>
        %add3A_229 = arith.constant 48 : i32
        %add3A_230 = arith.addi %mul3A_189, %add3A_229 : i32
        %get3A_231 = arith.index_cast %add3A_230 : i32 to index
        %get3A_232 = tpu.vector_load %arg6[%get3A_231] {strides = array<i32>} : memref<102400xf32, #tpu.memory_space<vmem>>, vector<16xf32>,
        %get3A_233 = vector.shape_cast %get3A_232 : vector<16xf32> to vector<16xf32>
        %add3A_234 = arith.addf %get3A_233, %get3A_11 : vector<16xf32>
        %add3A_235 = arith.constant 48 : i32
        %add3A_236 = arith.addi %mul3A_189, %add3A_235 : i32
        %swap3A_237 = arith.index_cast %add3A_236 : i32 to index
        %swap3A_238 = tpu.vector_load %arg6[%swap3A_237] {strides = array<i32>} : memref<102400xf32, #tpu.memory_space<vmem>>, vector<16xf32>,
        %swap3A_239 = vector.shape_cast %swap3A_238 : vector<16xf32> to vector<16xf32>
        %swap3A_240 = vector.shape_cast %add3A_234 : vector<16xf32> to vector<16xf32>
        tpu.vector_store %arg6[%swap3A_237], %swap3A_240 {strides = array<i32>} : memref<102400xf32, #tpu.memory_space<vmem>>, vector<16xf32>,
        %add3A_241 = arith.addf %scan3A_175, %add3A_234 : vector<16xf32>
        %add3A_242 = arith.constant 64 : i32
        %add3A_243 = arith.addi %mul3A_189, %add3A_242 : i32
        %get3A_244 = arith.index_cast %add3A_243 : i32 to index
        %get3A_245 = tpu.vector_load %arg6[%get3A_244] {strides = array<i32>} : memref<102400xf32, #tpu.memory_space<vmem>>, vector<16xf32>,
        %get3A_246 = vector.shape_cast %get3A_245 : vector<16xf32> to vector<16xf32>
        %add3A_247 = arith.addf %get3A_246, %get3A_14 : vector<16xf32>
        %add3A_248 = arith.constant 64 : i32
        %add3A_249 = arith.addi %mul3A_189, %add3A_248 : i32
        %swap3A_250 = arith.index_cast %add3A_249 : i32 to index
        %swap3A_251 = tpu.vector_load %arg6[%swap3A_250] {strides = array<i32>} : memref<102400xf32, #tpu.memory_space<vmem>>, vector<16xf32>,
        %swap3A_252 = vector.shape_cast %swap3A_251 : vector<16xf32> to vector<16xf32>
        %swap3A_253 = vector.shape_cast %add3A_247 : vector<16xf32> to vector<16xf32>
        tpu.vector_store %arg6[%swap3A_250], %swap3A_253 {strides = array<i32>} : memref<102400xf32, #tpu.memory_space<vmem>>, vector<16xf32>,
        %add3A_254 = arith.addf %scan3A_176, %add3A_247 : vector<16xf32>
        %add3A_255 = arith.constant 80 : i32
        %add3A_256 = arith.addi %mul3A_189, %add3A_255 : i32
        %get3A_257 = arith.index_cast %add3A_256 : i32 to index
        %get3A_258 = tpu.vector_load %arg6[%get3A_257] {strides = array<i32>} : memref<102400xf32, #tpu.memory_space<vmem>>, vector<16xf32>,
        %get3A_259 = vector.shape_cast %get3A_258 : vector<16xf32> to vector<16xf32>
        %add3A_260 = arith.addf %get3A_259, %get3A_17 : vector<16xf32>
        %add3A_261 = arith.constant 80 : i32
        %add3A_262 = arith.addi %mul3A_189, %add3A_261 : i32
        %swap3A_263 = arith.index_cast %add3A_262 : i32 to index
        %swap3A_264 = tpu.vector_load %arg6[%swap3A_263] {strides = array<i32>} : memref<102400xf32, #tpu.memory_space<vmem>>, vector<16xf32>,
        %swap3A_265 = vector.shape_cast %swap3A_264 : vector<16xf32> to vector<16xf32>
        %swap3A_266 = vector.shape_cast %add3A_260 : vector<16xf32> to vector<16xf32>
        tpu.vector_store %arg6[%swap3A_263], %swap3A_266 {strides = array<i32>} : memref<102400xf32, #tpu.memory_space<vmem>>, vector<16xf32>,
        %add3A_267 = arith.addf %scan3A_177, %add3A_260 : vector<16xf32>
        %add3A_268 = arith.constant 96 : i32
        %add3A_269 = arith.addi %mul3A_189, %add3A_268 : i32
        %get3A_270 = arith.index_cast %add3A_269 : i32 to index
        %get3A_271 = tpu.vector_load %arg6[%get3A_270] {strides = array<i32>} : memref<102400xf32, #tpu.memory_space<vmem>>, vector<16xf32>,
        %get3A_272 = vector.shape_cast %get3A_271 : vector<16xf32> to vector<16xf32>
        %add3A_273 = arith.addf %get3A_272, %get3A_20 : vector<16xf32>
        %add3A_274 = arith.constant 96 : i32
        %add3A_275 = arith.addi %mul3A_189, %add3A_274 : i32
        %swap3A_276 = arith.index_cast %add3A_275 : i32 to index
        %swap3A_277 = tpu.vector_load %arg6[%swap3A_276] {strides = array<i32>} : memref<102400xf32, #tpu.memory_space<vmem>>, vector<16xf32>,
        %swap3A_278 = vector.shape_cast %swap3A_277 : vector<16xf32> to vector<16xf32>
        %swap3A_279 = vector.shape_cast %add3A_273 : vector<16xf32> to vector<16xf32>
        tpu.vector_store %arg6[%swap3A_276], %swap3A_279 {strides = array<i32>} : memref<102400xf32, #tpu.memory_space<vmem>>, vector<16xf32>,
        %add3A_280 = arith.addf %scan3A_178, %add3A_273 : vector<16xf32>
        %add3A_281 = arith.constant 112 : i32
        %add3A_282 = arith.addi %mul3A_189, %add3A_281 : i32
        %get3A_283 = arith.index_cast %add3A_282 : i32 to index
        %get3A_284 = tpu.vector_load %arg6[%get3A_283] {strides = array<i32>} : memref<102400xf32, #tpu.memory_space<vmem>>, vector<16xf32>,
        %get3A_285 = vector.shape_cast %get3A_284 : vector<16xf32> to vector<16xf32>
        %add3A_286 = arith.addf %get3A_285, %get3A_23 : vector<16xf32>
        %add3A_287 = arith.constant 112 : i32
        %add3A_288 = arith.addi %mul3A_189, %add3A_287 : i32
        %swap3A_289 = arith.index_cast %add3A_288 : i32 to index
        %swap3A_290 = tpu.vector_load %arg6[%swap3A_289] {strides = array<i32>} : memref<102400xf32, #tpu.memory_space<vmem>>, vector<16xf32>,
        %swap3A_291 = vector.shape_cast %swap3A_290 : vector<16xf32> to vector<16xf32>
        %swap3A_292 = vector.shape_cast %add3A_286 : vector<16xf32> to vector<16xf32>
        tpu.vector_store %arg6[%swap3A_289], %swap3A_292 {strides = array<i32>} : memref<102400xf32, #tpu.memory_space<vmem>>, vector<16xf32>,
        %add3A_293 = arith.addf %scan3A_179, %add3A_286 : vector<16xf32>
        %add3A_294 = arith.constant 128 : i32
        %add3A_295 = arith.addi %mul3A_189, %add3A_294 : i32
        %get3A_296 = arith.index_cast %add3A_295 : i32 to index
        %get3A_297 = tpu.vector_load %arg6[%get3A_296] {strides = array<i32>} : memref<102400xf32, #tpu.memory_space<vmem>>, vector<16xf32>,
        %get3A_298 = vector.shape_cast %get3A_297 : vector<16xf32> to vector<16xf32>
        %add3A_299 = arith.addf %get3A_298, %get3A_26 : vector<16xf32>
        %add3A_300 = arith.constant 128 : i32
        %add3A_301 = arith.addi %mul3A_189, %add3A_300 : i32
        %swap3A_302 = arith.index_cast %add3A_301 : i32 to index
        %swap3A_303 = tpu.vector_load %arg6[%swap3A_302] {strides = array<i32>} : memref<102400xf32, #tpu.memory_space<vmem>>, vector<16xf32>,
        %swap3A_304 = vector.shape_cast %swap3A_303 : vector<16xf32> to vector<16xf32>
        %swap3A_305 = vector.shape_cast %add3A_299 : vector<16xf32> to vector<16xf32>
        tpu.vector_store %arg6[%swap3A_302], %swap3A_305 {strides = array<i32>} : memref<102400xf32, #tpu.memory_space<vmem>>, vector<16xf32>,
        %add3A_306 = arith.addf %scan3A_180, %add3A_299 : vector<16xf32>
        %add3A_307 = arith.constant 144 : i32
        %add3A_308 = arith.addi %mul3A_189, %add3A_307 : i32
        %get3A_309 = arith.index_cast %add3A_308 : i32 to index
        %get3A_310 = tpu.vector_load %arg6[%get3A_309] {strides = array<i32>} : memref<102400xf32, #tpu.memory_space<vmem>>, vector<16xf32>,
        %get3A_311 = vector.shape_cast %get3A_310 : vector<16xf32> to vector<16xf32>
        %add3A_312 = arith.addf %get3A_311, %get3A_29 : vector<16xf32>
        %add3A_313 = arith.constant 144 : i32
        %add3A_314 = arith.addi %mul3A_189, %add3A_313 : i32
        %swap3A_315 = arith.index_cast %add3A_314 : i32 to index
        %swap3A_316 = tpu.vector_load %arg6[%swap3A_315] {strides = array<i32>} : memref<102400xf32, #tpu.memory_space<vmem>>, vector<16xf32>,
        %swap3A_317 = vector.shape_cast %swap3A_316 : vector<16xf32> to vector<16xf32>
        %swap3A_318 = vector.shape_cast %add3A_312 : vector<16xf32> to vector<16xf32>
        tpu.vector_store %arg6[%swap3A_315], %swap3A_318 {strides = array<i32>} : memref<102400xf32, #tpu.memory_space<vmem>>, vector<16xf32>,
        %add3A_319 = arith.addf %scan3A_181, %add3A_312 : vector<16xf32>
        %add3A_320 = arith.constant 160 : i32
        %add3A_321 = arith.addi %mul3A_189, %add3A_320 : i32
        %get3A_322 = arith.index_cast %add3A_321 : i32 to index
        %get3A_323 = tpu.vector_load %arg6[%get3A_322] {strides = array<i32>} : memref<102400xf32, #tpu.memory_space<vmem>>, vector<16xf32>,
        %get3A_324 = vector.shape_cast %get3A_323 : vector<16xf32> to vector<16xf32>
        %add3A_325 = arith.addf %get3A_324, %get3A_32 : vector<16xf32>
        %add3A_326 = arith.constant 160 : i32
        %add3A_327 = arith.addi %mul3A_189, %add3A_326 : i32
        %swap3A_328 = arith.index_cast %add3A_327 : i32 to index
        %swap3A_329 = tpu.vector_load %arg6[%swap3A_328] {strides = array<i32>} : memref<102400xf32, #tpu.memory_space<vmem>>, vector<16xf32>,
        %swap3A_330 = vector.shape_cast %swap3A_329 : vector<16xf32> to vector<16xf32>
        %swap3A_331 = vector.shape_cast %add3A_325 : vector<16xf32> to vector<16xf32>
        tpu.vector_store %arg6[%swap3A_328], %swap3A_331 {strides = array<i32>} : memref<102400xf32, #tpu.memory_space<vmem>>, vector<16xf32>,
        %add3A_332 = arith.addf %scan3A_182, %add3A_325 : vector<16xf32>
        %add3A_333 = arith.constant 176 : i32
        %add3A_334 = arith.addi %mul3A_189, %add3A_333 : i32
        %get3A_335 = arith.index_cast %add3A_334 : i32 to index
        %get3A_336 = tpu.vector_load %arg6[%get3A_335] {strides = array<i32>} : memref<102400xf32, #tpu.memory_space<vmem>>, vector<16xf32>,
        %get3A_337 = vector.shape_cast %get3A_336 : vector<16xf32> to vector<16xf32>
        %add3A_338 = arith.addf %get3A_337, %get3A_35 : vector<16xf32>
        %add3A_339 = arith.constant 176 : i32
        %add3A_340 = arith.addi %mul3A_189, %add3A_339 : i32
        %swap3A_341 = arith.index_cast %add3A_340 : i32 to index
        %swap3A_342 = tpu.vector_load %arg6[%swap3A_341] {strides = array<i32>} : memref<102400xf32, #tpu.memory_space<vmem>>, vector<16xf32>,
        %swap3A_343 = vector.shape_cast %swap3A_342 : vector<16xf32> to vector<16xf32>
        %swap3A_344 = vector.shape_cast %add3A_338 : vector<16xf32> to vector<16xf32>
        tpu.vector_store %arg6[%swap3A_341], %swap3A_344 {strides = array<i32>} : memref<102400xf32, #tpu.memory_space<vmem>>, vector<16xf32>,
        %add3A_345 = arith.addf %scan3A_183, %add3A_338 : vector<16xf32>
        %add3A_346 = arith.constant 192 : i32
        %add3A_347 = arith.addi %mul3A_189, %add3A_346 : i32
        %get3A_348 = arith.index_cast %add3A_347 : i32 to index
        %get3A_349 = tpu.vector_load %arg6[%get3A_348] {strides = array<i32>} : memref<102400xf32, #tpu.memory_space<vmem>>, vector<16xf32>,
        %get3A_350 = vector.shape_cast %get3A_349 : vector<16xf32> to vector<16xf32>
        %add3A_351 = arith.addf %get3A_350, %get3A_38 : vector<16xf32>
        %add3A_352 = arith.constant 192 : i32
        %add3A_353 = arith.addi %mul3A_189, %add3A_352 : i32
        %swap3A_354 = arith.index_cast %add3A_353 : i32 to index
        %swap3A_355 = tpu.vector_load %arg6[%swap3A_354] {strides = array<i32>} : memref<102400xf32, #tpu.memory_space<vmem>>, vector<16xf32>,
        %swap3A_356 = vector.shape_cast %swap3A_355 : vector<16xf32> to vector<16xf32>
        %swap3A_357 = vector.shape_cast %add3A_351 : vector<16xf32> to vector<16xf32>
        tpu.vector_store %arg6[%swap3A_354], %swap3A_357 {strides = array<i32>} : memref<102400xf32, #tpu.memory_space<vmem>>, vector<16xf32>,
        %add3A_358 = arith.addf %scan3A_184, %add3A_351 : vector<16xf32>
        %add3A_359 = arith.constant 208 : i32
        %add3A_360 = arith.addi %mul3A_189, %add3A_359 : i32
        %get3A_361 = arith.index_cast %add3A_360 : i32 to index
        %get3A_362 = tpu.vector_load %arg6[%get3A_361] {strides = array<i32>} : memref<102400xf32, #tpu.memory_space<vmem>>, vector<16xf32>,
        %get3A_363 = vector.shape_cast %get3A_362 : vector<16xf32> to vector<16xf32>
        %add3A_364 = arith.addf %get3A_363, %get3A_41 : vector<16xf32>
        %add3A_365 = arith.constant 208 : i32
        %add3A_366 = arith.addi %mul3A_189, %add3A_365 : i32
        %swap3A_367 = arith.index_cast %add3A_366 : i32 to index
        %swap3A_368 = tpu.vector_load %arg6[%swap3A_367] {strides = array<i32>} : memref<102400xf32, #tpu.memory_space<vmem>>, vector<16xf32>,
        %swap3A_369 = vector.shape_cast %swap3A_368 : vector<16xf32> to vector<16xf32>
        %swap3A_370 = vector.shape_cast %add3A_364 : vector<16xf32> to vector<16xf32>
        tpu.vector_store %arg6[%swap3A_367], %swap3A_370 {strides = array<i32>} : memref<102400xf32, #tpu.memory_space<vmem>>, vector<16xf32>,
        %add3A_371 = arith.addf %scan3A_185, %add3A_364 : vector<16xf32>
        %add3A_372 = arith.constant 224 : i32
        %add3A_373 = arith.addi %mul3A_189, %add3A_372 : i32
        %get3A_374 = arith.index_cast %add3A_373 : i32 to index
        %get3A_375 = tpu.vector_load %arg6[%get3A_374] {strides = array<i32>} : memref<102400xf32, #tpu.memory_space<vmem>>, vector<16xf32>,
        %get3A_376 = vector.shape_cast %get3A_375 : vector<16xf32> to vector<16xf32>
        %add3A_377 = arith.addf %get3A_376, %get3A_44 : vector<16xf32>
        %add3A_378 = arith.constant 224 : i32
        %add3A_379 = arith.addi %mul3A_189, %add3A_378 : i32
        %swap3A_380 = arith.index_cast %add3A_379 : i32 to index
        %swap3A_381 = tpu.vector_load %arg6[%swap3A_380] {strides = array<i32>} : memref<102400xf32, #tpu.memory_space<vmem>>, vector<16xf32>,
        %swap3A_382 = vector.shape_cast %swap3A_381 : vector<16xf32> to vector<16xf32>
        %swap3A_383 = vector.shape_cast %add3A_377 : vector<16xf32> to vector<16xf32>
        tpu.vector_store %arg6[%swap3A_380], %swap3A_383 {strides = array<i32>} : memref<102400xf32, #tpu.memory_space<vmem>>, vector<16xf32>,
        %add3A_384 = arith.addf %scan3A_186, %add3A_377 : vector<16xf32>
        %add3A_385 = arith.constant 240 : i32
        %add3A_386 = arith.addi %mul3A_189, %add3A_385 : i32
        %get3A_387 = arith.index_cast %add3A_386 : i32 to index
        %get3A_388 = tpu.vector_load %arg6[%get3A_387] {strides = array<i32>} : memref<102400xf32, #tpu.memory_space<vmem>>, vector<16xf32>,
        %get3A_389 = vector.shape_cast %get3A_388 : vector<16xf32> to vector<16xf32>
        %add3A_390 = arith.addf %get3A_389, %get3A_47 : vector<16xf32>
        %add3A_391 = arith.constant 240 : i32
        %add3A_392 = arith.addi %mul3A_189, %add3A_391 : i32
        %swap3A_393 = arith.index_cast %add3A_392 : i32 to index
        %swap3A_394 = tpu.vector_load %arg6[%swap3A_393] {strides = array<i32>} : memref<102400xf32, #tpu.memory_space<vmem>>, vector<16xf32>,
        %swap3A_395 = vector.shape_cast %swap3A_394 : vector<16xf32> to vector<16xf32>
        %swap3A_396 = vector.shape_cast %add3A_390 : vector<16xf32> to vector<16xf32>
        tpu.vector_store %arg6[%swap3A_393], %swap3A_396 {strides = array<i32>} : memref<102400xf32, #tpu.memory_space<vmem>>, vector<16xf32>,
        %add3A_397 = arith.addf %scan3A_187, %add3A_390 : vector<16xf32>
        scf.yield %add3A_202, %add3A_215, %add3A_228, %add3A_241, %add3A_254, %add3A_267, %add3A_280, %add3A_293, %add3A_306, %add3A_319, %add3A_332, %add3A_345, %add3A_358, %add3A_371, %add3A_384, %add3A_397 : vector<16xf32>, vector<16xf32>, vector<16xf32>, vector<16xf32>, vector<16xf32>, vector<16xf32>, vector<16xf32>, vector<16xf32>, vector<16xf32>, vector<16xf32>, vector<16xf32>, vector<16xf32>, vector<16xf32>, vector<16xf32>, vector<16xf32>, vector<16xf32>
      }
      %scan3A_170 = arith.constant 400 : i32
      "tpu.region"() ({
        %run_scoped3A = tpu.sem_alloc : memref<!tpu.dma_semaphore, #tpu.memory_space<semaphore_mem>>
        %dma_start3A = tpu.memref_slice %arg4[%mul3A_165] : memref<12800000xf32, #tpu.memory_space<hbm>> -> memref<102400xf32, #tpu.memory_space<hbm>>
        %dma_start3A_171 = tpu.memref_slice %arg4[%mul3A_165] : memref<12800000xf32, #tpu.memory_space<hbm>> -> memref<102400xf32, #tpu.memory_space<hbm>>
        tpu.enqueue_dma source(%arg6 : memref<102400xf32, #tpu.memory_space<vmem>>) target(%dma_start3A_171 : memref<102400xf32, #tpu.memory_space<hbm>>) target_semaphore(%run_scoped3A : memref<!tpu.dma_semaphore, #tpu.memory_space<semaphore_mem>>)
        %dma_wait3A = tpu.memref_slice %arg4[%mul3A_165] : memref<12800000xf32, #tpu.memory_space<hbm>> -> memref<102400xf32, #tpu.memory_space<hbm>>
        %dma_wait3A_172 = tpu.memref_slice %arg4[%mul3A_165] : memref<12800000xf32, #tpu.memory_space<hbm>> -> memref<102400xf32, #tpu.memory_space<hbm>>
        tpu.wait_dma2 semaphore(%run_scoped3A : memref<!tpu.dma_semaphore, #tpu.memory_space<semaphore_mem>>) src(%arg6 : memref<102400xf32, #tpu.memory_space<vmem>>) dst(%dma_wait3A_172 : memref<102400xf32, #tpu.memory_space<hbm>>)
        tpu.yield
      }) : () -> ()
      scf.yield %scan3A_169#0, %scan3A_169#1, %scan3A_169#2, %scan3A_169#3, %scan3A_169#4, %scan3A_169#5, %scan3A_169#6, %scan3A_169#7, %scan3A_169#8, %scan3A_169#9, %scan3A_169#10, %scan3A_169#11, %scan3A_169#12, %scan3A_169#13, %scan3A_169#14, %scan3A_169#15 : vector<16xf32>, vector<16xf32>, vector<16xf32>, vector<16xf32>, vector<16xf32>, vector<16xf32>, vector<16xf32>, vector<16xf32>, vector<16xf32>, vector<16xf32>, vector<16xf32>, vector<16xf32>, vector<16xf32>, vector<16xf32>, vector<16xf32>, vector<16xf32>
    }
    %swap3A = arith.constant 0 : index
    %swap3A_79 = tpu.vector_load %arg8[%swap3A] {strides = array<i32>} : memref<256xf32, #tpu.memory_space<vmem>>, vector<16xf32>,
    %swap3A_80 = vector.shape_cast %swap3A_79 : vector<16xf32> to vector<16xf32>
    %swap3A_81 = vector.shape_cast %while3A_78#0 : vector<16xf32> to vector<16xf32>
    tpu.vector_store %arg8[%swap3A], %swap3A_81 {strides = array<i32>} : memref<256xf32, #tpu.memory_space<vmem>>, vector<16xf32>,
    %swap3A_82 = arith.constant 16 : index
    %swap3A_83 = tpu.vector_load %arg8[%swap3A_82] {strides = array<i32>} : memref<256xf32, #tpu.memory_space<vmem>>, vector<16xf32>,
    %swap3A_84 = vector.shape_cast %swap3A_83 : vector<16xf32> to vector<16xf32>
    %swap3A_85 = vector.shape_cast %while3A_78#1 : vector<16xf32> to vector<16xf32>
    tpu.vector_store %arg8[%swap3A_82], %swap3A_85 {strides = array<i32>} : memref<256xf32, #tpu.memory_space<vmem>>, vector<16xf32>,
    %swap3A_86 = arith.constant 32 : index
    %swap3A_87 = tpu.vector_load %arg8[%swap3A_86] {strides = array<i32>} : memref<256xf32, #tpu.memory_space<vmem>>, vector<16xf32>,
    %swap3A_88 = vector.shape_cast %swap3A_87 : vector<16xf32> to vector<16xf32>
    %swap3A_89 = vector.shape_cast %while3A_78#2 : vector<16xf32> to vector<16xf32>
    tpu.vector_store %arg8[%swap3A_86], %swap3A_89 {strides = array<i32>} : memref<256xf32, #tpu.memory_space<vmem>>, vector<16xf32>,
    %swap3A_90 = arith.constant 48 : index
    %swap3A_91 = tpu.vector_load %arg8[%swap3A_90] {strides = array<i32>} : memref<256xf32, #tpu.memory_space<vmem>>, vector<16xf32>,
    %swap3A_92 = vector.shape_cast %swap3A_91 : vector<16xf32> to vector<16xf32>
    %swap3A_93 = vector.shape_cast %while3A_78#3 : vector<16xf32> to vector<16xf32>
    tpu.vector_store %arg8[%swap3A_90], %swap3A_93 {strides = array<i32>} : memref<256xf32, #tpu.memory_space<vmem>>, vector<16xf32>,
    %swap3A_94 = arith.constant 64 : index
    %swap3A_95 = tpu.vector_load %arg8[%swap3A_94] {strides = array<i32>} : memref<256xf32, #tpu.memory_space<vmem>>, vector<16xf32>,
    %swap3A_96 = vector.shape_cast %swap3A_95 : vector<16xf32> to vector<16xf32>
    %swap3A_97 = vector.shape_cast %while3A_78#4 : vector<16xf32> to vector<16xf32>
    tpu.vector_store %arg8[%swap3A_94], %swap3A_97 {strides = array<i32>} : memref<256xf32, #tpu.memory_space<vmem>>, vector<16xf32>,
    %swap3A_98 = arith.constant 80 : index
    %swap3A_99 = tpu.vector_load %arg8[%swap3A_98] {strides = array<i32>} : memref<256xf32, #tpu.memory_space<vmem>>, vector<16xf32>,
    %swap3A_100 = vector.shape_cast %swap3A_99 : vector<16xf32> to vector<16xf32>
    %swap3A_101 = vector.shape_cast %while3A_78#5 : vector<16xf32> to vector<16xf32>
    tpu.vector_store %arg8[%swap3A_98], %swap3A_101 {strides = array<i32>} : memref<256xf32, #tpu.memory_space<vmem>>, vector<16xf32>,
    %swap3A_102 = arith.constant 96 : index
    %swap3A_103 = tpu.vector_load %arg8[%swap3A_102] {strides = array<i32>} : memref<256xf32, #tpu.memory_space<vmem>>, vector<16xf32>,
    %swap3A_104 = vector.shape_cast %swap3A_103 : vector<16xf32> to vector<16xf32>
    %swap3A_105 = vector.shape_cast %while3A_78#6 : vector<16xf32> to vector<16xf32>
    tpu.vector_store %arg8[%swap3A_102], %swap3A_105 {strides = array<i32>} : memref<256xf32, #tpu.memory_space<vmem>>, vector<16xf32>,
    %swap3A_106 = arith.constant 112 : index
    %swap3A_107 = tpu.vector_load %arg8[%swap3A_106] {strides = array<i32>} : memref<256xf32, #tpu.memory_space<vmem>>, vector<16xf32>,
    %swap3A_108 = vector.shape_cast %swap3A_107 : vector<16xf32> to vector<16xf32>
    %swap3A_109 = vector.shape_cast %while3A_78#7 : vector<16xf32> to vector<16xf32>
    tpu.vector_store %arg8[%swap3A_106], %swap3A_109 {strides = array<i32>} : memref<256xf32, #tpu.memory_space<vmem>>, vector<16xf32>,
    %swap3A_110 = arith.constant 128 : index
    %swap3A_111 = tpu.vector_load %arg8[%swap3A_110] {strides = array<i32>} : memref<256xf32, #tpu.memory_space<vmem>>, vector<16xf32>,
    %swap3A_112 = vector.shape_cast %swap3A_111 : vector<16xf32> to vector<16xf32>
    %swap3A_113 = vector.shape_cast %while3A_78#8 : vector<16xf32> to vector<16xf32>
    tpu.vector_store %arg8[%swap3A_110], %swap3A_113 {strides = array<i32>} : memref<256xf32, #tpu.memory_space<vmem>>, vector<16xf32>,
    %swap3A_114 = arith.constant 144 : index
    %swap3A_115 = tpu.vector_load %arg8[%swap3A_114] {strides = array<i32>} : memref<256xf32, #tpu.memory_space<vmem>>, vector<16xf32>,
    %swap3A_116 = vector.shape_cast %swap3A_115 : vector<16xf32> to vector<16xf32>
    %swap3A_117 = vector.shape_cast %while3A_78#9 : vector<16xf32> to vector<16xf32>
    tpu.vector_store %arg8[%swap3A_114], %swap3A_117 {strides = array<i32>} : memref<256xf32, #tpu.memory_space<vmem>>, vector<16xf32>,
    %swap3A_118 = arith.constant 160 : index
    %swap3A_119 = tpu.vector_load %arg8[%swap3A_118] {strides = array<i32>} : memref<256xf32, #tpu.memory_space<vmem>>, vector<16xf32>,
    %swap3A_120 = vector.shape_cast %swap3A_119 : vector<16xf32> to vector<16xf32>
    %swap3A_121 = vector.shape_cast %while3A_78#10 : vector<16xf32> to vector<16xf32>
    tpu.vector_store %arg8[%swap3A_118], %swap3A_121 {strides = array<i32>} : memref<256xf32, #tpu.memory_space<vmem>>, vector<16xf32>,
    %swap3A_122 = arith.constant 176 : index
    %swap3A_123 = tpu.vector_load %arg8[%swap3A_122] {strides = array<i32>} : memref<256xf32, #tpu.memory_space<vmem>>, vector<16xf32>,
    %swap3A_124 = vector.shape_cast %swap3A_123 : vector<16xf32> to vector<16xf32>
    %swap3A_125 = vector.shape_cast %while3A_78#11 : vector<16xf32> to vector<16xf32>
    tpu.vector_store %arg8[%swap3A_122], %swap3A_125 {strides = array<i32>} : memref<256xf32, #tpu.memory_space<vmem>>, vector<16xf32>,
    %swap3A_126 = arith.constant 192 : index
    %swap3A_127 = tpu.vector_load %arg8[%swap3A_126] {strides = array<i32>} : memref<256xf32, #tpu.memory_space<vmem>>, vector<16xf32>,
    %swap3A_128 = vector.shape_cast %swap3A_127 : vector<16xf32> to vector<16xf32>
    %swap3A_129 = vector.shape_cast %while3A_78#12 : vector<16xf32> to vector<16xf32>
    tpu.vector_store %arg8[%swap3A_126], %swap3A_129 {strides = array<i32>} : memref<256xf32, #tpu.memory_space<vmem>>, vector<16xf32>,
    %swap3A_130 = arith.constant 208 : index
    %swap3A_131 = tpu.vector_load %arg8[%swap3A_130] {strides = array<i32>} : memref<256xf32, #tpu.memory_space<vmem>>, vector<16xf32>,
    %swap3A_132 = vector.shape_cast %swap3A_131 : vector<16xf32> to vector<16xf32>
    %swap3A_133 = vector.shape_cast %while3A_78#13 : vector<16xf32> to vector<16xf32>
    tpu.vector_store %arg8[%swap3A_130], %swap3A_133 {strides = array<i32>} : memref<256xf32, #tpu.memory_space<vmem>>, vector<16xf32>,
    %swap3A_134 = arith.constant 224 : index
    %swap3A_135 = tpu.vector_load %arg8[%swap3A_134] {strides = array<i32>} : memref<256xf32, #tpu.memory_space<vmem>>, vector<16xf32>,
    %swap3A_136 = vector.shape_cast %swap3A_135 : vector<16xf32> to vector<16xf32>
    %swap3A_137 = vector.shape_cast %while3A_78#14 : vector<16xf32> to vector<16xf32>
    tpu.vector_store %arg8[%swap3A_134], %swap3A_137 {strides = array<i32>} : memref<256xf32, #tpu.memory_space<vmem>>, vector<16xf32>,
    %swap3A_138 = arith.constant 240 : index
    %swap3A_139 = tpu.vector_load %arg8[%swap3A_138] {strides = array<i32>} : memref<256xf32, #tpu.memory_space<vmem>>, vector<16xf32>,
    %swap3A_140 = vector.shape_cast %swap3A_139 : vector<16xf32> to vector<16xf32>
    %swap3A_141 = vector.shape_cast %while3A_78#15 : vector<16xf32> to vector<16xf32>
    tpu.vector_store %arg8[%swap3A_138], %swap3A_141 {strides = array<i32>} : memref<256xf32, #tpu.memory_space<vmem>>, vector<16xf32>,
    %mul3A_142 = arith.constant 256 : i32
    %mul3A_143 = arith.muli %add3A, %mul3A_142 : i32
    "tpu.region"() ({
      %run_scoped3A = tpu.sem_alloc : memref<!tpu.dma_semaphore, #tpu.memory_space<semaphore_mem>>
      %dma_start3A = tpu.memref_slice %arg5[%mul3A_143] : memref<8192xf32, #tpu.memory_space<hbm>> -> memref<256xf32, #tpu.memory_space<hbm>>
      %dma_start3A_144 = tpu.memref_slice %arg5[%mul3A_143] : memref<8192xf32, #tpu.memory_space<hbm>> -> memref<256xf32, #tpu.memory_space<hbm>>
      tpu.enqueue_dma source(%arg8 : memref<256xf32, #tpu.memory_space<vmem>>) target(%dma_start3A_144 : memref<256xf32, #tpu.memory_space<hbm>>) target_semaphore(%run_scoped3A : memref<!tpu.dma_semaphore, #tpu.memory_space<semaphore_mem>>)
      %dma_wait3A = tpu.memref_slice %arg5[%mul3A_143] : memref<8192xf32, #tpu.memory_space<hbm>> -> memref<256xf32, #tpu.memory_space<hbm>>
      %dma_wait3A_145 = tpu.memref_slice %arg5[%mul3A_143] : memref<8192xf32, #tpu.memory_space<hbm>> -> memref<256xf32, #tpu.memory_space<hbm>>
      tpu.wait_dma2 semaphore(%run_scoped3A : memref<!tpu.dma_semaphore, #tpu.memory_space<semaphore_mem>>) src(%arg8 : memref<256xf32, #tpu.memory_space<vmem>>) dst(%dma_wait3A_145 : memref<256xf32, #tpu.memory_space<hbm>>)
      tpu.yield
    }) : () -> ()
    return
  }
}

module attributes {stable_mosaic.version = 14 : i64} {
  func.func @_mlp_kernel(%arg0: memref<32x256xf32, #tpu.memory_space<vmem>>, %arg1: memref<1x256xf32, #tpu.memory_space<vmem>>, %arg2: memref<256x256xf32, #tpu.memory_space<vmem>>, %arg3: memref<1x256xf32, #tpu.memory_space<vmem>>, %arg4: memref<1x256xf32, #tpu.memory_space<vmem>>, %arg5: memref<1x256xf32, #tpu.memory_space<vmem>>, %arg6: memref<1x256xf32, #tpu.memory_space<vmem>>) attributes {dimension_semantics = [], scalar_prefetch = 0 : i64, scratch_operands = 0 : i64, tpu.core_type = #tpu.core_type<tc>} {
    %get3A = arith.constant 0 : index
    %get3A_0 = arith.constant 0 : index
    %get3A_1 = vector.load %arg0[%get3A, %get3A_0] : memref<32x256xf32, #tpu.memory_space<vmem>>, vector<32x256xf32>
    %reduce_sum3A = arith.constant dense<0.000000e+00> : vector<256xf32>
    %reduce_sum3A_2 = vector.multi_reduction <add>, %get3A_1, %reduce_sum3A [0] : vector<32x256xf32> to vector<256xf32>
    %broadcast_in_dim3A = vector.shape_cast %reduce_sum3A_2 : vector<256xf32> to vector<1x256xf32>
    %get3A_3 = arith.constant 0 : index
    %get3A_4 = arith.constant 0 : index
    %get3A_5 = vector.load %arg1[%get3A_3, %get3A_4] : memref<1x256xf32, #tpu.memory_space<vmem>>, vector<1x256xf32>
    %add3A = arith.addf %broadcast_in_dim3A, %get3A_5 : vector<1x256xf32>
    %get3A_6 = arith.constant 0 : index
    %get3A_7 = arith.constant 0 : index
    %get3A_8 = vector.load %arg2[%get3A_6, %get3A_7] : memref<256x256xf32, #tpu.memory_space<vmem>>, vector<256x256xf32>
    %dot_general3A = arith.constant dense<0.000000e+00> : vector<1x256xf32>
    %dot_general3A_9 = tpu.matmul %add3A, %get3A_8, %dot_general3A {dimension_numbers = #tpu.dot_dimension_numbers<[1], [0], [0], [1], [0, 0, 1, 1], [], []>, transpose_lhs_hint = false} : vector<1x256xf32>, vector<256x256xf32>, vector<1x256xf32> -> vector<1x256xf32>
    %get3A_10 = arith.constant 0 : index
    %get3A_11 = arith.constant 0 : index
    %get3A_12 = vector.load %arg3[%get3A_10, %get3A_11] : memref<1x256xf32, #tpu.memory_space<vmem>>, vector<1x256xf32>
    %add3A_13 = arith.addf %dot_general3A_9, %get3A_12 : vector<1x256xf32>
    %reduce_sum3A_14 = arith.constant dense<0.000000e+00> : vector<1xf32>
    %reduce_sum3A_15 = vector.multi_reduction <add>, %add3A_13, %reduce_sum3A_14 [1] : vector<1x256xf32> to vector<1xf32>
    %broadcast_in_dim3A_16 = vector.shape_cast %reduce_sum3A_15 : vector<1xf32> to vector<1x1xf32>
    %div3A = arith.constant 2.560000e+02 : f32
    %div3A_17 = vector.broadcast %div3A : f32 to vector<1x1xf32>
    %div3A_18 = arith.divf %broadcast_in_dim3A_16, %div3A_17 : vector<1x1xf32>
    %sub3A = vector.broadcast %div3A_18 : vector<1x1xf32> to vector<1x256xf32>
    %sub3A_19 = arith.subf %add3A_13, %sub3A : vector<1x256xf32>
    %sub3A_20 = vector.broadcast %div3A_18 : vector<1x1xf32> to vector<1x256xf32>
    %sub3A_21 = arith.subf %add3A_13, %sub3A_20 : vector<1x256xf32>
    %mul3A = arith.mulf %sub3A_19, %sub3A_21 : vector<1x256xf32>
    %reduce_sum3A_22 = arith.constant dense<0.000000e+00> : vector<1xf32>
    %reduce_sum3A_23 = vector.multi_reduction <add>, %mul3A, %reduce_sum3A_22 [1] : vector<1x256xf32> to vector<1xf32>
    %broadcast_in_dim3A_24 = vector.shape_cast %reduce_sum3A_23 : vector<1xf32> to vector<1x1xf32>
    %div3A_25 = arith.constant 2.560000e+02 : f32
    %div3A_26 = vector.broadcast %div3A_25 : f32 to vector<1x1xf32>
    %div3A_27 = arith.divf %broadcast_in_dim3A_24, %div3A_26 : vector<1x1xf32>
    %get3A_28 = arith.constant 0 : index
    %get3A_29 = arith.constant 0 : index
    %get3A_30 = vector.load %arg4[%get3A_28, %get3A_29] : memref<1x256xf32, #tpu.memory_space<vmem>>, vector<1x256xf32>
    %sub3A_31 = vector.broadcast %div3A_18 : vector<1x1xf32> to vector<1x256xf32>
    %sub3A_32 = arith.subf %add3A_13, %sub3A_31 : vector<1x256xf32>
    %mul3A_33 = arith.mulf %get3A_30, %sub3A_32 : vector<1x256xf32>
    %add3A_34 = arith.constant 9.99999974E-6 : f32
    %add3A_35 = vector.broadcast %add3A_34 : f32 to vector<1x1xf32>
    %add3A_36 = arith.addf %div3A_27, %add3A_35 : vector<1x1xf32>
    %rsqrt3A = math.rsqrt %add3A_36 : vector<1x1xf32>
    %mul3A_37 = vector.broadcast %rsqrt3A : vector<1x1xf32> to vector<1x256xf32>
    %mul3A_38 = arith.mulf %mul3A_33, %mul3A_37 : vector<1x256xf32>
    %get3A_39 = arith.constant 0 : index
    %get3A_40 = arith.constant 0 : index
    %get3A_41 = vector.load %arg5[%get3A_39, %get3A_40] : memref<1x256xf32, #tpu.memory_space<vmem>>, vector<1x256xf32>
    %add3A_42 = arith.addf %mul3A_38, %get3A_41 : vector<1x256xf32>
    %max3A = arith.constant 0.000000e+00 : f32
    %max3A_43 = vector.broadcast %max3A : f32 to vector<1x256xf32>
    %max3A_44 = arith.maximumf %add3A_42, %max3A_43 : vector<1x256xf32>
    %swap3A = arith.constant 0 : index
    %swap3A_45 = arith.constant 0 : index
    %swap3A_46 = vector.load %arg6[%swap3A, %swap3A_45] : memref<1x256xf32, #tpu.memory_space<vmem>>, vector<1x256xf32>
    tpu.vector_store %arg6[%swap3A, %swap3A_45], %max3A_44 {strides = array<i32>} : memref<1x256xf32, #tpu.memory_space<vmem>>, vector<1x256xf32>,
    return
  }
}

</mosaic_0001>

<sc_bundles>
// kernel: kernel.4.cloned.1.call-start
scs
__scs_entry_jumppad:
0x0: {  	(pc) =	sbr.rel $0x88, $3  }
0x1: {  	(tag) =	ssettag $0x0;
	lr =	simm.s32 $0x1  }
0x2: {  	[smem:$0x3F9B] =	sst lr;
	_ =	strace $0xD0000000  }
0x3: {  	_ = 	snop  }
0x4: {  	_ = 	snop  }
0x5: {  	_ = 	snop  }
0x6: {  	_ = 	snop  }
0x7: {  	_ = 	snop  }
__scs_overlays_trampoline_lowered:
0x8: {  	[smem:$0x3FAA] =	sst s0  }
0x9: {  	[smem:$0x3FAB] =	sst s1  }
0xa: {  	[smem:$0x3FAC] =	sst s2  }
0xb: {  	[smem:$0x3FAD] =	sst s3  }
0xc: {  	[smem:$0x3FAE] =	sst s4  }
0xd: {  	[smem:$0x3FAF] =	sst s5  }
0xe: {  	[smem:$0x3FB0] =	sst s6  }
0xf: {  	[smem:$0x3FB1] =	sst s7  }
0x10: {  	[smem:$0x3FB2] =	sst s8  }
0x11: {  	[smem:$0x3FB3] =	sst s9;
	s0 =	simm.s32 @!p0 $0x0  }
0x12: {  	s1 =	sld [smem:$0x3F99];
	s0 =	simm.s32 @p0 $0x1  }
0x13: {  	[smem:$0x3FB4] =	sst s0;
	s0 =	simm.s32 @!p1 $0x0  }
0x14: {  	s2 =	sld [smem:$0x3F98];
	s0 =	simm.s32 @p1 $0x1  }
0x15: {  	[smem:$0x3FB5] =	sst s0;
	s0 =	simm.s32 @!p2 $0x0  }
0x16: {  	s3 =	sld [smem:$0x3FDB];
	s0 =	simm.s32 @p2 $0x1  }
0x17: {  	s4 =	simm.s32 $0x1BF5;
	[smem:$0x3FB7] =	sst s0  }
0x18: {  	s0 =	sld [smem:$0x3F9A];
	_ =	swait.ge [sflag:s4], $0x0  }
0x19: {  	s7 =	sld [smem:$0x3F9B]  }
0x1a: {  	s8 =	sadd.s32 $0xFFFFE003, lr  }
0x1b: {  	s9 =	sadd.s32 $0xFFFFFEF7, lr;
	s5 =	simm.s32 $0xFFFFFFFF;
	p2 =	slt.u32 s8, $0xFFFFF086  }
0x1c: {  	p1 =	slt.u32 s9, $0xF7A;
	s5 =	simm.s32 @!p2 $0x0  }
0x1d: {  	s5 =	simm.s32 @p1 $0x1;
	p0 =	seq.s32 s7, s2  }
0x1e: {  	s7 =	smul.u32 @!p0 $0xF7A, s2;
	p2 =	seq.s32 @!p0 s5, $0x0  }
0x1f: {  	s9 =	smul.u32 $0xF7A, s1;
	s8 =	simm.s32 @!p0 $0x1BF5;
	p2 =	por !p2, p0  }
0x20: {  	[sflag:s8] =	ssyncset.s32 @!p0 $0xFFFFF086;
	s6 =	sadd.s32 @!p0 s3, s7;
	s7 =	simm.s32 @!p0 $0x108  }
0x21: {  	s3 =	sadd.s32 s3, s9;
	s6 =	sadd.s32 @!p0 $0x88, s6;
	s7 =	simm.s32 @p2 $0x1082  }
0x22: {  	[simem:s7], [sflag:s8] =	dma.local @!p0 [hbm:s6], $0xF7A  }
0x23: {  	s9 =	sor.u32 $0xD0000000, s2;
	s6 =	simm.s32 $0x108;
	_ =	swait.ge @!p0 [sflag:s8], $0x0  }
0x24: {  	s3 =	sadd.s32 $0x88, s3;
	s6 =	simm.s32 @!p1 $0x1082;
	[sflag:s4] =	ssyncset.s32 $0xFFFFF086  }
0x25: {  	[simem:s6], [sflag:s4] =	dma.local [hbm:s3], $0xF7A  }
0x26: {  	[smem:$0x3F9B] =	sst s1;
	(tag) =	ssettag s2;
	_ =	strace s9  }
0x27: {  	s1 =	sld [smem:$0x3FAB]  }
0x28: {  	s2 =	sld [smem:$0x3FAC]  }
0x29: {  	s4 =	sld [smem:$0x3FAE]  }
0x2a: {  	p0 =	seq.s32 s5, $0x0;
	s5 =	sld [smem:$0x3FAF]  }
0x2b: {  	s6 =	sld [smem:$0x3FB0]  }
0x2c: {  	s7 =	sld [smem:$0x3FB1]  }
0x2d: {  	s3 =	simm.s32 $0x108;
	s8 =	sld [smem:$0x3FB2]  }
0x2e: {  	s3 =	simm.s32 @!p0 $0x1082;
	s9 =	sld [smem:$0x3FB3]  }
0x2f: {  	lr =	sadd.s32 s0, s3;
	s0 =	sld [smem:$0x3FAA]  }
0x30: {  	s3 =	sld [smem:$0x3FAD]  }
0x31: {  	[smem:$0x3FB6] =	sst s10  }
0x32: {  	s10 =	sld [smem:$0x3FB4];
	_ =	sdelay $0x3  }
0x33: {  	p0 =	seq.s32 s10, $0x1;
	s10 =	sld [smem:$0x3FB6];
	_ =	sdelay $0x3  }
0x34: {  	[smem:$0x3FB6] =	sst s10  }
0x35: {  	s10 =	sld [smem:$0x3FB5];
	_ =	sdelay $0x3  }
0x36: {  	p1 =	seq.s32 s10, $0x1;
	s10 =	sld [smem:$0x3FB6];
	_ =	sdelay $0x3  }
0x37: {  	[smem:$0x3FB6] =	sst s10  }
0x38: {  	s10 =	sld [smem:$0x3FB7]  }
0x39: {  	_ = 	snop;
	(pc) =	sbr.ind lr, $3  }
0x3a: {  	_ = 	snop  }
0x3b: {  	_ = 	snop  }
0x3c: {  	p2 =	seq.s32 s10, $0x1;
	s10 =	sld [smem:$0x3FB6]  }
0x3d: {  	_ =	shalt  }
0x3e: {  	_ =	shalt  }
0x3f: {  	_ =	shalt  }
0x40: {  	_ =	shalt  }
0x41: {  	_ =	shalt  }
0x42: {  	_ =	shalt  }
0x43: {  	_ =	shalt  }
0x44: {  	_ =	shalt  }
0x45: {  	_ =	shalt  }
0x46: {  	_ =	shalt  }
0x47: {  	_ =	shalt  }
0x48: {  	_ =	shalt  }
0x49: {  	_ =	shalt  }
0x4a: {  	_ =	shalt  }
0x4b: {  	_ =	shalt  }
0x4c: {  	_ =	shalt  }
0x4d: {  	_ =	shalt  }
0x4e: {  	_ =	shalt  }
0x4f: {  	_ =	shalt  }
0x50: {  	_ =	shalt  }
0x51: {  	_ =	shalt  }
0x52: {  	_ =	shalt  }
0x53: {  	_ =	shalt  }
0x54: {  	_ =	shalt  }
0x55: {  	_ =	shalt  }
0x56: {  	_ =	shalt  }
0x57: {  	_ =	shalt  }
0x58: {  	_ =	shalt  }
0x59: {  	_ =	shalt  }
0x5a: {  	_ =	shalt  }
0x5b: {  	_ =	shalt  }
0x5c: {  	_ =	shalt  }
0x5d: {  	_ =	shalt  }
0x5e: {  	_ =	shalt  }
0x5f: {  	_ =	shalt  }
0x60: {  	_ =	shalt  }
0x61: {  	_ =	shalt  }
0x62: {  	_ =	shalt  }
0x63: {  	_ =	shalt  }
0x64: {  	_ =	shalt  }
0x65: {  	_ =	shalt  }
0x66: {  	_ =	shalt  }
0x67: {  	_ =	shalt  }
0x68: {  	_ =	shalt  }
0x69: {  	_ =	shalt  }
0x6a: {  	_ =	shalt  }
0x6b: {  	_ =	shalt  }
0x6c: {  	_ =	shalt  }
0x6d: {  	_ =	shalt  }
0x6e: {  	_ =	shalt  }
0x6f: {  	_ =	shalt  }
0x70: {  	_ =	shalt  }
0x71: {  	_ =	shalt  }
0x72: {  	_ =	shalt  }
0x73: {  	_ =	shalt  }
0x74: {  	_ =	shalt  }
0x75: {  	_ =	shalt  }
0x76: {  	_ =	shalt  }
0x77: {  	_ =	shalt  }
0x78: {  	_ =	shalt  }
0x79: {  	_ =	shalt  }
0x7a: {  	_ =	shalt  }
0x7b: {  	_ =	shalt  }
0x7c: {  	_ =	shalt  }
0x7d: {  	_ =	shalt  }
0x7e: {  	_ =	shalt  }
0x7f: {  	_ =	shalt  }
0x80: {  	_ =	shalt  }
0x81: {  	_ =	shalt  }
0x82: {  	_ =	shalt  }
0x83: {  	_ =	shalt  }
0x84: {  	_ =	shalt  }
0x85: {  	_ =	shalt  }
0x86: {  	_ =	shalt  }
0x87: {  	_ =	shalt  }
.Lfunc_end0:
.L_simem_size_0:
called_computation.1_lowered:
.L_overlay_start_0:
0x88: {  	s2 =	sld [smem:$0x3FD9]  }
0x89: {  	s3 =	sld [smem:$0x3FFE];
	_ =	sdelay $0x1  }
0x8a: {  	s1 =	srdreg.scid  }
0x8b: {  	s0 =	sand.u32 $0x1, s1  }
0x8c: {  	s14 =	sshll.u32 s0, $0xA;
	s2 =	sadd.s32 s3, s2  }
0x8d: {  	s2 =	sadd.s32 s2, s14  }
0x8e: {  	[smem:$0x3FC2] =	sst s2  }
0x8f: {  	_ = 	snop  }
0x90: {  	s2 =	sld [smem:$0x3FD0];
	_ =	sdelay $0x2  }
0x91: {  	s4 =	simm.s32 $0xA;
	s5 =	simm.s32 $0x10;
	s15 =	sld [smem:$0x3FC8]  }
0x92: {  	[smem:s5], [sflag:s4] =	dma.local [hbm:s2], $0x1  }
0x93: {  	_ =	swait.eq [sflag:s4], $0x1  }
0x94: {  	[sflag:s4] =	ssyncset.done $0x0  }
0x95: {  	[sflag:s4] =	ssyncadd.s32 $0xFFFFFFFF  }
0x96: {  	s16 =	sld [smem:$0x10];
	(tm) =	ssettm $0x1  }
0x97: {  	s17 =	sld [smem:$0x3FFB];
	_ =	sdelay $0x3  }
0x98: {  	_ =	strace s17  }
0x99: {  	s4 =	sld [smem:$0x3FFC];
	_ =	sdelay $0x3  }
0x9a: {  	_ =	strace s4  }
0x9b: {  	s4 =	sld [smem:$0x3FFD];
	_ =	sdelay $0x3  }
0x9c: {  	_ =	strace s4  }
0x9d: {  	_ =	strace $0x8FFFFFFF  }
0x9e: {  	s18 =	sld [smem:$0x3FDB];
	_ =	sdelay $0x1  }
0x9f: {  	s19 =	simm.s32 $_scs_section_size  }
0xa0: {  	s6 =	simm.s32 $_size__tile_overlayer_lowered;
	s7 =	simm.s32 $_tile_overlayer_lowered  }
0xa1: {  	s22 =	simm.s32 $0x1BFF;
	s21 =	sshll.u32 s7, $0x1;
	s4 =	sadd.s32 s19, s18  }
0xa2: {  	s8 =	simm.s32 $0x0;
	s20 =	sshll.u32 s6, $0x1;
	s6 =	sadd.s32 s21, s4  }
0xa3: {  	[timem:s8], [sflag:s22] =	dma.local [hbm:s6], s20  }
0xa4: {  	_ =	swait.ge [sflag:s22], s20  }
0xa5: {  	s5 =	ssub.s32 $0x0, s20;
	[sflag:s22] =	ssyncset.done $0x0  }
0xa6: {  	[sflag:s22] =	ssyncadd.s32 s5;
	_ =	sdelay $0x1  }
0xa7: {  	s23 =	simm.s32 $0x1B8B  }
0xa8: {  	_ =	swait.ge [sflag:s23], $0x1  }
0xa9: {  	[sflag:s23] =	ssyncset.done $0x0  }
0xaa: {  	s25 =	simm.s32 $0x1B8E;
	s24 =	sld [smem:$0x3FFE];
	[sflag:s23] =	ssyncadd.s32 $0xFFFFFFFF  }
0xab: {  	s26 =	simm.s32 $execute0_lowered;
	[smem:$0x3FD2] =	sst s25  }
0xac: {  	s6 =	sshll.u32 s26, $0x1;
	_ =	strace $0x80000049;
	[dreg:$0x1] =	wrdreg $0xFFFFFFFF  }
0xad: {  	s28 =	simm.s32 $_size_execute0_lowered;
	s4 =	sadd.s32 s4, s6;
	[dreg:$0x0] =	wrdreg $0x0  }
0xae: {  	s6 =	sshll.u32 s28, $0x1;
	[dreg:$0x2] =	wrdreg s4  }
0xaf: {  	[dreg:$0x3] =	wrdreg s6  }
0xb0: {  	[dreg:$0x4] =	wrdreg $0xC0  }
0xb1: {  	_ =	task [dreg:s8], $0x5FFFF  }
0xb2: {  	[dreg:$0x1] =	wrdreg $0xFFFFFFFF  }
0xb3: {  	[dreg:$0x0] =	wrdreg $0x60  }
0xb4: {  	[dreg:$0x2] =	wrdreg s16  }
0xb5: {  	[dreg:$0x3] =	wrdreg s15  }
0xb6: {  	[dreg:$0x4] =	wrdreg s24  }
0xb7: {  	[dreg:$0x5] =	wrdreg $0x9  }
0xb8: {  	_ =	task.clear_ibuf [dreg:s8], $0x6FFFF;
	_ =	strace $0x90000049  }
0xb9: {  	s29 =	simm.s32 $0x9;
	_ =	strace $0x8000004B  }
0xba: {  	_ =	swait.ge [sflag:s29], $0x1  }
0xbb: {  	[sflag:s29] =	ssyncadd.s32 $0xFFFFFFFF  }
0xbc: {  	_ =	strace $0x9000004B  }
0xbd: {  	_ =	sfence  }
0xbe: {  	s30 =	sld [smem:$0x0];
	_ =	sdelay $0x2  }
0xbf: {  	s31 =	sshll.u32 s1, $0xD;
	s1 =	sshrl.u32 s1, $0x2  }
0xc0: {  	s3 =	sand.u32 $0x4000, s31;
	s1 =	sadd.s32 s1, s30  }
0xc1: {  	s0 =	sor.u32 s3, s0;
	s1 =	sshll.u32 s1, $0x11  }
0xc2: {  	s0 =	sor.u32 s1, s0  }
0xc3: {  	s0 =	sadd.s32 $0x8F2B, s0  }
0xc4: {  	[sflag:s0] =	ssyncadd.remote.s32 $0x1  }
0xc5: {  	_ =	sfence.sel $0xFFFF  }
0xc6: {  	[dreg:$0x0] =	wrdreg $0xFFFFFFFF;
	(pc) =	sbr.abs _section_cstart, $3  }
0xc7: {  	[dreg:$0x1] =	wrdreg $0xFFFFFFFF  }
0xc8: {  	_ =	task.clear_ibuf [dreg:s8], $0x2FFFF;
	_ =	strace $0x9FFFFFFF  }
0xc9: {  	(tm) =	ssettm $0x7FFFFFFF  }
tec
execute0_lowered:
.L_overlay_start_1:
0x0: {  	(tag) =	ssettag $0x1  }
0x1: {  	s1 =	rddreg [dreg:$0x0]  }
0x2: {  	s3 =	rddreg [dreg:$0x1]  }
0x3: {  	s7 =	rddreg [dreg:$0x2]  }
0x4: {  	s0 =	rddreg [dreg:$0x3];
	s5 =	srdreg.scid  }
0x5: {  	s2 =	stileid.u32;
	s4 =	simm.s32 $0x0;
	s10 =	simm.s32 $0x19000  }
0x6: {  	s11 =	simm.s32 $0x1;
	s12 =	simm.s32 $0x19100;
	s13 =	simm.s32 $0x0  }
0x7: {  	s6 =	sand.u32 $0x1, s5;
	s29 =	sshll.u32 s2, $0x1;
	[smem:$0x7FF] =	sst s4  }
0x8: {  	s5 =	sor.u32 s6, s29;
	_ =	strace $0x8000004A;
	s9 =	ssub.s32 $0x2, s6  }
0x9: {  	s6 =	sadd.s32 $0x1800, s7;
	s8 =	sshll.u32 s5, $0x5;
	s30 =	sshrl.u32 s9, $0x1  }
0xa: {  	s31 =	ssub.s32 $0x7C, s5;
	s7 =	sadd.s32 s8, s7;
	s9 =	ssub.s32 s9, s30  }
0xb: {  	s8 =	sshrl.u32 s31, $0x5;
	s7 =	sadd.s32 $0x188200, s7;
	s9 =	smax.u32 s9, $0x1  }
.LBB2_1:
0xc: {  	[tilespmem:s10], [sflag:$0x1] =	stream.linear.gather [hbm4b:s3+s4], $0x100, $0x38;
	[tilespmem:$0x19200] =	vst v63  }
0xd: {  	_ =	swait.ge [sflag:s11], $0x100  }
0xe: {  	[sflag:s11] =	ssyncset.done $0x0  }
0xf: {  	[sflag:s11] =	ssyncadd.s32 $0xFFFFFF00  }
0x10: {  	v3 =	vld [tilespmem:$0x19000]  }
0x11: {  	v4 =	vld [tilespmem:$0x19010]  }
0x12: {  	v6 =	vld [tilespmem:$0x19020]  }
0x13: {  	v7 =	vld [tilespmem:$0x19030]  }
0x14: {  	v8 =	vld [tilespmem:$0x19040]  }
0x15: {  	v10 =	vld [tilespmem:$0x19050]  }
0x16: {  	v11 =	vld [tilespmem:$0x19060]  }
0x17: {  	v13 =	vld [tilespmem:$0x19070]  }
0x18: {  	v14 =	vld [tilespmem:$0x19080]  }
0x19: {  	v16 =	vld [tilespmem:$0x19090]  }
0x1a: {  	v0 =	vimm.f32 $0.0e+00;
	v17 =	vld [tilespmem:$0x190A0]  }
0x1b: {  	v1 =	vimm.f32 $0.0e+00;
	v2 =	vimm.f32 $0.0e+00;
	v5 =	vimm.f32 $0.0e+00;
	v19 =	vld [tilespmem:$0x190B0]  }
0x1c: {  	v9 =	vimm.f32 $0.0e+00;
	v12 =	vimm.f32 $0.0e+00;
	v15 =	vimm.f32 $0.0e+00;
	v22 =	vld [tilespmem:$0x190C0]  }
0x1d: {  	v18 =	vimm.f32 $0.0e+00;
	v20 =	vimm.f32 $0.0e+00;
	v21 =	vimm.f32 $0.0e+00;
	v24 =	vld [tilespmem:$0x190D0]  }
0x1e: {  	v23 =	vimm.f32 $0.0e+00;
	v25 =	vimm.f32 $0.0e+00;
	v26 =	vimm.f32 $0.0e+00;
	v27 =	vld [tilespmem:$0x190E0]  }
0x1f: {  	v28 =	vimm.f32 $0.0e+00;
	v29 =	vimm.f32 $0.0e+00;
	v31 =	vimm.f32 $0.0e+00;
	s14 =	simm.s32 $0x0;
	v30 =	vld [tilespmem:$0x190F0]  }
.LBB2_2:
0x20: {  	s15 =	sshll.u32 s14, $0x5  }
0x21: {  	s15 =	sor.u32 s5, s15  }
0x22: {  	s15 =	smul.u32 $0x19000, s15;
	_ =	sdelay $0x1  }
0x23: {  	s15 =	sshrl.u32 s15, $0x3  }
0x24: {  	s17 =	simm.s32 $0x0;
	s16 =	sadd.s32 s1, s15  }
0x25: {  	[tilespmem:s17], [sflag:$0x1] =	stream.linear.gather [hbm4b:s16+s17], $0x19000, $0x38;
	[tilespmem:$0x19200] =	vst v63  }
0x26: {  	_ =	swait.ge [sflag:s11], $0x19000  }
0x27: {  	[sflag:s11] =	ssyncset.done $0x0  }
0x28: {  	s16 =	simm.s32 $0x0;
	[sflag:s11] =	ssyncadd.s32 $0xFFFE7000  }
0x29: {  	v32 =	vld [tilespmem:s16+$0x0]  }
0x2a: {  	v33 =	vld [tilespmem:s16+$0x10]  }
0x2b: {  	v34 =	vld [tilespmem:s16+$0x20]  }
0x2c: {  	v35 =	vld [tilespmem:s16+$0x30]  }
0x2d: {  	v36 =	vld [tilespmem:s16+$0x40]  }
0x2e: {  	v61 =	vld [tilespmem:s16+$0x50]  }
0x2f: {  	v38 =	vld [tilespmem:s16+$0x60]  }
0x30: {  	v40 =	vld [tilespmem:s16+$0x70]  }
0x31: {  	v42 =	vld [tilespmem:s16+$0x90];
	v37 =	vadd.f32 v32, v3  }
0x32: {  	v39 =	vadd.f32 v33, v4  }
0x33: {  	v34 =	vadd.f32 v34, v6;
	v35 =	vadd.f32 v35, v7;
	[tilespmem:s16+$0x0] =	vst v37  }
0x34: {  	v41 =	vld [tilespmem:s16+$0x80];
	v36 =	vadd.f32 v36, v8;
	v43 =	vadd.f32 v61, v10;
	[tilespmem:s16+$0x10] =	vst v39  }
0x35: {  	v62 =	vadd.f32 v38, v11;
	v63 =	vadd.f32 v40, v13;
	[tilespmem:s16+$0x20] =	vst v34  }
0x36: {  	v33 =	vld [tilespmem:s16+$0xA0];
	v38 =	vadd.f32 v42, v16;
	[tilespmem:s16+$0x30] =	vst v35;
	v31 =	vadd.f32 v37, v31  }
0x37: {  	v32 =	vld [tilespmem:s16+$0xB0];
	[tilespmem:s16+$0x40] =	vst v36;
	v29 =	vadd.f32 v39, v29;
	v28 =	vadd.f32 v34, v28  }
0x38: {  	[tilespmem:s16+$0x50] =	vst v43;
	v34 =	vld [tilespmem:s16+$0xC0];
	v26 =	vadd.f32 v35, v26;
	v25 =	vadd.f32 v36, v25  }
0x39: {  	[tilespmem:s16+$0x60] =	vst v62;
	v23 =	vadd.f32 v43, v23;
	v35 =	vld [tilespmem:s16+$0xD0];
	v37 =	vadd.f32 v41, v14  }
0x3a: {  	s17 =	simm.s32 $0x400;
	v21 =	vadd.f32 v62, v21;
	[tilespmem:s16+$0x70] =	vst v63;
	v20 =	vadd.f32 v63, v20;
	v36 =	vld [tilespmem:s16+$0xE0]  }
.LBB2_3:
0x3b: {  	s18 =	sshra.s32 s17, $0x2;
	p0 =	sne.s32 s17, $0x63C00;
	[tilespmem:s16+$0x80] =	vst v37;
	v18 =	vadd.f32 v37, v18;
	v33 =	vadd.f32 v33, v17;
	v37 =	vld [tilespmem:s16+$0xF0]  }
0x3c: {  	v39 =	vld [tilespmem:s18+$0x0];
	[tilespmem:s16+$0x90] =	vst v38;
	v15 =	vadd.f32 v38, v15;
	v32 =	vadd.f32 v32, v19  }
0x3d: {  	v38 =	vld [tilespmem:s18+$0x10];
	[tilespmem:s16+$0xA0] =	vst v33;
	v12 =	vadd.f32 v33, v12;
	v33 =	vadd.f32 v34, v22  }
0x3e: {  	v34 =	vld [tilespmem:s18+$0x20];
	[tilespmem:s16+$0xB0] =	vst v32;
	v9 =	vadd.f32 v32, v9;
	v32 =	vadd.f32 v35, v24  }
0x3f: {  	v35 =	vld [tilespmem:s18+$0x30];
	[tilespmem:s16+$0xC0] =	vst v33;
	v5 =	vadd.f32 v33, v5;
	v33 =	vadd.f32 v36, v27  }
0x40: {  	v36 =	vld [tilespmem:s18+$0x40];
	[tilespmem:s16+$0xD0] =	vst v32;
	v2 =	vadd.f32 v32, v2;
	v32 =	vadd.f32 v37, v30  }
0x41: {  	v37 =	vadd.f32 v39, v3;
	v39 =	vld [tilespmem:s18+$0x50];
	[tilespmem:s16+$0xE0] =	vst v33;
	v1 =	vadd.f32 v33, v1  }
0x42: {  	v33 =	vadd.f32 v38, v4;
	v38 =	vld [tilespmem:s18+$0x60];
	[tilespmem:s16+$0xF0] =	vst v32;
	v0 =	vadd.f32 v32, v0;
	s16 =	smov.u32 s18  }
0x43: {  	[tilespmem:s16+$0x0] =	vst v37;
	v31 =	vadd.f32 v37, v31;
	v32 =	vadd.f32 v34, v6;
	v34 =	vld [tilespmem:s16+$0x70]  }
0x44: {  	[tilespmem:s16+$0x10] =	vst v33;
	v29 =	vadd.f32 v33, v29;
	v33 =	vadd.f32 v35, v7;
	v35 =	vld [tilespmem:s16+$0x80]  }
0x45: {  	[tilespmem:s16+$0x20] =	vst v32;
	v28 =	vadd.f32 v32, v28;
	v32 =	vadd.f32 v36, v8;
	v36 =	vld [tilespmem:s16+$0x90]  }
.Ltmp0:
0x46: {  	[tilespmem:s16+$0x30] =	vst v33;
	v26 =	vadd.f32 v33, v26;
	v37 =	vadd.f32 v39, v10;
	v33 =	vld [tilespmem:s16+$0xA0];
	(pc) =	sbr.rel @p0 .LBB2_3-.Ltmp0, $4  }
0x47: {  	[tilespmem:s16+$0x40] =	vst v32;
	v25 =	vadd.f32 v32, v25;
	v38 =	vadd.f32 v38, v11;
	v32 =	vld [tilespmem:s16+$0xB0]  }
0x48: {  	[tilespmem:s16+$0x50] =	vst v37;
	v23 =	vadd.f32 v37, v23;
	v39 =	vadd.f32 v34, v13;
	v34 =	vld [tilespmem:s16+$0xC0]  }
0x49: {  	[tilespmem:s16+$0x60] =	vst v38;
	v21 =	vadd.f32 v38, v21;
	v37 =	vadd.f32 v35, v14;
	v35 =	vld [tilespmem:s16+$0xD0]  }
0x4a: {  	s17 =	sadd.s32 $0x400, s17;
	[tilespmem:s16+$0x70] =	vst v39;
	v20 =	vadd.f32 v39, v20;
	v38 =	vadd.f32 v36, v16;
	v36 =	vld [tilespmem:s16+$0xE0]  }
0x4b: {  	[tilespmem:s16+$0x80] =	vst v37;
	v33 =	vadd.f32 v33, v17;
	v39 =	vld [tilespmem:s16+$0xF0]  }
0x4c: {  	[tilespmem:s16+$0x90] =	vst v38;
	v32 =	vadd.f32 v32, v19  }
0x4d: {  	[tilespmem:s16+$0xA0] =	vst v33;
	v34 =	vadd.f32 v34, v22  }
0x4e: {  	[tilespmem:s16+$0xB0] =	vst v32;
	v35 =	vadd.f32 v35, v24  }
0x4f: {  	[tilespmem:s16+$0xC0] =	vst v34;
	v36 =	vadd.f32 v36, v27  }
0x50: {  	[tilespmem:s16+$0xD0] =	vst v35;
	v39 =	vadd.f32 v39, v30  }
0x51: {  	p0 =	sne.s32 s14, s8;
	[tilespmem:s16+$0xE0] =	vst v36  }
.Ltmp1:
0x52: {  	s15 =	sadd.s32 s6, s15;
	[tilespmem:s16+$0xF0] =	vst v39;
	(pc) =	sbr.rel @p0 .LBB2_2-.Ltmp1, $4  }
0x53: {  	v18 =	vadd.f32 v37, v18;
	v15 =	vadd.f32 v38, v15;
	[hbm4b:s15+s4] =	stream.linear.scatter [tilespmem:s4], [sflag:$0x1], $0x19000, $0x38;
	[tilespmem:$0x19200] =	vst v63  }
0x54: {  	v12 =	vadd.f32 v33, v12;
	v9 =	vadd.f32 v32, v9;
	_ =	swait.ge [sflag:s11], $0x19000  }
0x55: {  	s31 =	sadd.s32 $0x1, s14;
	v5 =	vadd.f32 v34, v5;
	v2 =	vadd.f32 v35, v2;
	[sflag:s11] =	ssyncset.done $0x0  }
0x56: {  	s14 =	smov.u32 s31;
	v1 =	vadd.f32 v36, v1;
	v0 =	vadd.f32 v39, v0;
	[sflag:s11] =	ssyncadd.s32 $0xFFFE7000  }
0x57: {  	[tilespmem:$0x19100] =	vst v31  }
0x58: {  	[tilespmem:$0x19110] =	vst v29  }
0x59: {  	[tilespmem:$0x19120] =	vst v28  }
0x5a: {  	[tilespmem:$0x19130] =	vst v26  }
0x5b: {  	[tilespmem:$0x19140] =	vst v25  }
0x5c: {  	[tilespmem:$0x19150] =	vst v23  }
0x5d: {  	[tilespmem:$0x19160] =	vst v21  }
0x5e: {  	[tilespmem:$0x19170] =	vst v20  }
0x5f: {  	[tilespmem:$0x19180] =	vst v18  }
0x60: {  	[tilespmem:$0x19190] =	vst v15  }
0x61: {  	[tilespmem:$0x191A0] =	vst v12  }
0x62: {  	[tilespmem:$0x191B0] =	vst v9  }
0x63: {  	[tilespmem:$0x191C0] =	vst v5  }
0x64: {  	[tilespmem:$0x191D0] =	vst v2;
	s13 =	sadd.s32 $0x1, s13  }
0x65: {  	[tilespmem:$0x191E0] =	vst v1;
	p0 =	sne.s32 s13, s9  }
.Ltmp2:
0x66: {  	[tilespmem:$0x191F0] =	vst v0;
	(pc) =	sbr.rel @p0 .LBB2_1-.Ltmp2, $4  }
0x67: {  	[hbm4b:s7+s4] =	stream.linear.scatter [tilespmem:s12], [sflag:$0x1], $0x100, $0x38;
	[tilespmem:$0x19200] =	vst v63  }
0x68: {  	_ =	swait.ge [sflag:s11], $0x100  }
0x69: {  	[sflag:s11] =	ssyncset.done $0x0  }
0x6a: {  	[sflag:s11] =	ssyncadd.s32 $0xFFFFFF00  }
0x6b: {  	_ =	sfence.sel $0x180000  }
0x6c: {  	[bflag:$0x0] =	sbarrier.arrive $0xFFFF  }
0x6d: {  	p0 =	sne.s32 s2, $0x0;
	_ =	strace $0x9000004A  }
0x6e: {  	s0 =	sadd.s32 @!p0 $0x100000, s0;
	[bflag:$0x2] =	sbarrier.arrive $0xFFFF  }
0x6f: {  	[sflag:s0] =	ssyncadd.tile.s32 @!p0 $0x1;
	_ =	shalt  }
.Lfunc_end2:
_tile_overlayer_lowered:
.L_overlay_start_2:
0x70: {  	(tag) =	ssettag $0x2  }
0x71: {  	s0 =	rddreg [dreg:$0x0];
	s2 =	stileid.u32  }
0x72: {  	s1 =	rddreg [dreg:$0x1];
	p0 =	sne.s32 s2, $0x0  }
0x73: {  	s3 =	rddreg [dreg:$0x2];
	[bflag:$0x3] =	sbarrier.arrive $0xFFFF;
	s2 =	simm.s32 @!p0 $0x1C01  }
0x74: {  	[timem:s3], [sflag:s2] =	dma.local @!p0 [hbm:s0], s1  }
0x75: {  	s0 =	simm.s32 @!p0 $0x1  }
0x76: {  	_ =	swait.ge @!p0 [sflag:s0], s1  }
0x77: {  	s1 =	ssub.s32 @!p0 $0x0, s1;
	[sflag:s0] =	ssyncset.done @!p0 $0x0  }
0x78: {  	[sflag:s0] =	ssyncadd.s32 @!p0 s1  }
0x79: {  	[bflag:$0x3] =	sbarrier.arrive $0xFFFF  }
0x7a: {  	_ =	shalt  }

// kernel: sparse-core-data-format-call.cloned.1.call-start
scs
called_computation_lowered:
.L_overlay_start_0:
0x0: {  	s2 =	sld [smem:$0x3FD9]  }
0x1: {  	s3 =	sld [smem:$0x3FFE];
	_ =	sdelay $0x1  }
0x2: {  	s1 =	srdreg.scid  }
0x3: {  	s0 =	sand.u32 $0x1, s1  }
0x4: {  	s16 =	sshll.u32 s0, $0xA;
	s2 =	sadd.s32 s3, s2  }
0x5: {  	s2 =	sadd.s32 s2, s16  }
0x6: {  	[smem:$0x3FC2] =	sst s2  }
0x7: {  	_ = 	snop  }
0x8: {  	s2 =	sld [smem:$0x3FD0];
	_ =	sdelay $0x2  }
0x9: {  	s4 =	simm.s32 $0xA;
	s5 =	simm.s32 $0x10;
	s17 =	sld [smem:$0x3FC9]  }
0xa: {  	[smem:s5], [sflag:s4] =	dma.local [hbm:s2], $0x1  }
0xb: {  	_ =	swait.eq [sflag:s4], $0x1  }
0xc: {  	[sflag:s4] =	ssyncset.done $0x0  }
0xd: {  	[sflag:s4] =	ssyncadd.s32 $0xFFFFFFFF  }
0xe: {  	s18 =	sld [smem:$0x10];
	(tm) =	ssettm $0x1  }
0xf: {  	s19 =	sld [smem:$0x3FFB];
	_ =	sdelay $0x3  }
0x10: {  	_ =	strace s19  }
0x11: {  	s4 =	sld [smem:$0x3FFC];
	_ =	sdelay $0x3  }
0x12: {  	_ =	strace s4  }
0x13: {  	s4 =	sld [smem:$0x3FFD];
	_ =	sdelay $0x3  }
0x14: {  	_ =	strace s4  }
0x15: {  	_ =	strace $0x8FFFFFFF  }
0x16: {  	s20 =	sld [smem:$0x3FDB];
	_ =	sdelay $0x1  }
0x17: {  	s21 =	simm.s32 $_scs_section_size  }
0x18: {  	s6 =	simm.s32 $_size__tile_overlayer_lowered;
	s7 =	simm.s32 $_tile_overlayer_lowered  }
0x19: {  	s24 =	simm.s32 $0x1BFF;
	s23 =	sshll.u32 s7, $0x1;
	s4 =	sadd.s32 s21, s20  }
0x1a: {  	s8 =	simm.s32 $0x0;
	s22 =	sshll.u32 s6, $0x1;
	s6 =	sadd.s32 s23, s4  }
0x1b: {  	[timem:s8], [sflag:s24] =	dma.local [hbm:s6], s22  }
0x1c: {  	_ =	swait.ge [sflag:s24], s22  }
0x1d: {  	s5 =	ssub.s32 $0x0, s22;
	[sflag:s24] =	ssyncset.done $0x0  }
0x1e: {  	[sflag:s24] =	ssyncadd.s32 s5;
	_ =	sdelay $0x1  }
0x1f: {  	s25 =	simm.s32 $0x1B8B  }
0x20: {  	_ =	swait.ge [sflag:s25], $0x1  }
0x21: {  	[sflag:s25] =	ssyncset.done $0x0  }
0x22: {  	s26 =	simm.s32 $0x1B8E;
	[sflag:s25] =	ssyncadd.s32 $0xFFFFFFFF  }
0x23: {  	s27 =	simm.s32 $execute0_lowered;
	[smem:$0x3FD2] =	sst s26  }
0x24: {  	s5 =	sshll.u32 s27, $0x1;
	_ =	strace $0x80000046;
	[dreg:$0x1] =	wrdreg $0xFFFFFFFF  }
0x25: {  	s28 =	simm.s32 $_size_execute0_lowered;
	s4 =	sadd.s32 s4, s5;
	[dreg:$0x0] =	wrdreg $0x0  }
0x26: {  	s5 =	sshll.u32 s28, $0x1;
	[dreg:$0x2] =	wrdreg s4  }
0x27: {  	[dreg:$0x3] =	wrdreg s5  }
0x28: {  	[dreg:$0x4] =	wrdreg $0xC0  }
0x29: {  	_ =	task [dreg:s8], $0x5FFFF  }
0x2a: {  	[dreg:$0x1] =	wrdreg $0xFFFFFFFF  }
0x2b: {  	[dreg:$0x0] =	wrdreg $0x60  }
0x2c: {  	[dreg:$0x2] =	wrdreg s17  }
0x2d: {  	[dreg:$0x3] =	wrdreg s18  }
0x2e: {  	[dreg:$0x4] =	wrdreg $0x9  }
0x2f: {  	_ =	task.clear_ibuf [dreg:s8], $0x5FFFF;
	_ =	strace $0x90000046  }
0x30: {  	s29 =	simm.s32 $0x9;
	_ =	strace $0x80000048  }
0x31: {  	_ =	swait.ge [sflag:s29], $0x1  }
0x32: {  	[sflag:s29] =	ssyncadd.s32 $0xFFFFFFFF  }
0x33: {  	_ =	strace $0x90000048  }
0x34: {  	_ =	sfence  }
0x35: {  	s30 =	sld [smem:$0x0];
	_ =	sdelay $0x2  }
0x36: {  	s31 =	sshll.u32 s1, $0xD;
	s1 =	sshrl.u32 s1, $0x2  }
0x37: {  	s3 =	sand.u32 $0x4000, s31;
	s1 =	sadd.s32 s1, s30  }
0x38: {  	s0 =	sor.u32 s3, s0;
	s1 =	sshll.u32 s1, $0x11  }
0x39: {  	s0 =	sor.u32 s1, s0  }
0x3a: {  	s0 =	sadd.s32 $0x8F2B, s0  }
0x3b: {  	[sflag:s0] =	ssyncadd.remote.s32 $0x1  }
0x3c: {  	_ =	sfence.sel $0xFFFF  }
0x3d: {  	[dreg:$0x0] =	wrdreg $0xFFFFFFFF;
	(pc) =	sbr.abs _section_cstart, $3  }
0x3e: {  	[dreg:$0x1] =	wrdreg $0xFFFFFFFF  }
0x3f: {  	_ =	task.clear_ibuf [dreg:s8], $0x2FFFF;
	_ =	strace $0x9FFFFFFF  }
0x40: {  	(tm) =	ssettm $0x7FFFFFFF  }
0x41: {  	_ =	shalt  }
tec
execute0_lowered:
.L_overlay_start_1:
0x0: {  	(tag) =	ssettag $0x1  }
0x1: {  	s2 =	rddreg [dreg:$0x0]  }
0x2: {  	s0 =	srdreg.scid;
	s3 =	rddreg [dreg:$0x1]  }
0x3: {  	s1 =	stileid.u32;
	s5 =	simm.s32 $0x1;
	s0 =	sshll.u32 s0, $0x4  }
0x4: {  	s6 =	simm.s32 $0x2;
	s8 =	simm.s32 $0x0;
	s4 =	sand.u32 $0x10, s0  }
.Ltmp0:
0x5: {  	s9 =	simm.s32 $0x0;
	s4 =	sor.u32 s1, s4;
	(pc) =	sbr.rel .LBB1_1-.Ltmp0, $4  }
0x6: {  	s0 =	rddreg [dreg:$0x2];
	_ =	strace $0x80000047;
	s4 =	sshll.u32 s4, $0x3  }
0x7: {  	s13 =	simm.s32 $0x0;
	[sflag:s5] =	ssyncpa.u1 $0x0;
	s7 =	ssub.s32 $0x1868, s4  }
0x8: {  	s10 =	simm.s32 $0x0;
	[sflag:s6] =	ssyncpa.u1 $0x0;
	s6 =	sshrl.u32 s7, $0x8  }
0x9: {  	s12 =	simm.s32 $0x0;
	s11 =	smov.u32 s4;
	s7 =	sadd.s32 $0x2, s6  }
.LBB1_9:
0xa: {  	s15 =	sshll.u32 s12, $0xE  }
0xb: {  	s16 =	sshll.u32 s10, $0x8;
	s15 =	sand.u32 $0x4000, s15  }
0xc: {  	s16 =	sadd.s32 s3, s16;
	s15 =	sor.u32 $0x8000, s15  }
0xd: {  	[hbm4b:s16+s8] =	stream.linear.scatter [tilespmem:s15], [sflag:$0x2], s14, $0x38;
	[tilespmem:$0x10000] =	vst v63  }
.LBB1_10:
0xe: {  	p0 =	slt.u32 s12, $0x2  }
0xf: {  	p1 =	sgt.s32 @!p0 s13, $0x1862  }
0x10: {  	s14 =	smov.u32 s13;
	s15 =	sshra.s32 @!p0 s13, $0x1F;
	p1 =	por !p1, p0  }
0x11: {  	s13 =	sand.u32 @!p0 s15, s13;
	s14 =	simm.s32 @p1 $0x1862  }
0x12: {  	s13 =	ssub.s32 @!p0 s14, s13  }
0x13: {  	s13 =	sadd.s32 @!p0 $0xFFFFE79E, s13  }
0x14: {  	s14 =	sshll.u32 @!p0 s13, $0xD  }
0x15: {  	p1 =	sgt.s32 @!p0 s13, $0x7;
	s13 =	ssub.s32 @!p0 $0x10000, s14  }
0x16: {  	s15 =	sadd.s32 $0x100, s11;
	p1 =	por !p1, p0;
	s13 =	sshrl.u32 @!p0 s13, $0x2  }
0x17: {  	s13 =	simm.s32 @!p1 $0x0;
	p1 =	sgt.s32 s15, $0x1869  }
0x18: {  	s15 =	smov.u32 @p1 s4;
	p1 =	sne.s32 s12, s7  }
.Ltmp1:
0x19: {  	_ = 	snop;
	(pc) =	sbr.rel @!p1 .LBB1_11-.Ltmp1, $4  }
0x1a: {  	s14 =	simm.s32 @!p0 $0x2  }
0x1b: {  	s9 =	sadd.s32 $0x4000, s9;
	_ =	swait.ge @!p0 [sflag:s14], s13;
	s16 =	ssub.s32 @!p0 $0x0, s13  }
0x1c: {  	s13 =	smov.u32 s10;
	s12 =	sadd.s32 $0x1, s12;
	[sflag:s14] =	ssyncset.done @!p0 $0x0  }
0x1d: {  	s10 =	smov.u32 s11;
	s11 =	smov.u32 s15;
	[sflag:s14] =	ssyncadd.s32 @!p0 s16  }
.LBB1_1:
0x1e: {  	p0 =	sgt.u32 s12, s6  }
0x1f: {  	p1 =	sgt.s32 @!p0 s11, $0x1862  }
0x20: {  	s14 =	smov.u32 s11;
	s15 =	sshra.s32 @!p0 s11, $0x1F;
	p1 =	por !p1, p0  }
0x21: {  	s15 =	sand.u32 @!p0 s15, s11;
	s14 =	simm.s32 @p1 $0x1862  }
0x22: {  	s14 =	ssub.s32 @!p0 s14, s15  }
0x23: {  	s14 =	sadd.s32 @!p0 $0xFFFFE79E, s14  }
0x24: {  	s17 =	simm.s32 @!p0 $0x0;
	s15 =	sxor.u32 @!p0 $0xFFFFFFFF, s12;
	s16 =	sshll.u32 @!p0 s14, $0xD  }
0x25: {  	s15 =	sshll.u32 @!p0 s15, $0xE;
	p1 =	sgt.s32 @!p0 s14, $0x7;
	s14 =	ssub.s32 @!p0 $0x10000, s16  }
0x26: {  	p1 =	por !p1, p0;
	s16 =	sshll.u32 @!p0 s11, $0x8;
	s14 =	sshrl.u32 @!p0 s14, $0x2  }
0x27: {  	s15 =	sand.u32 @!p0 $0x4000, s15;
	s16 =	sadd.s32 @!p0 s2, s16;
	s14 =	simm.s32 @!p1 $0x0  }
0x28: {  	[tilespmem:s15], [sflag:$0x1] =	stream.linear.gather @!p0 [hbm4b:s16+s17], s14, $0x38;
	[tilespmem:$0x10000] =	vst v63  }
0x29: {  	p0 =	seq.s32 s12, $0x0  }
0x2a: {  	p1 =	sge.u32 @!p0 s12, s7  }
0x2b: {  	p0 =	por p0, p1  }
.Ltmp2:
0x2c: {  	_ = 	snop;
	(pc) =	sbr.rel @p0 .LBB1_10-.Ltmp2, $1  }
0x2d: {  	_ =	sdelay $0x3  }
0x2e: {  	p0 =	sgt.s32 s10, $0x1862;
	s14 =	smov.u32 s10;
	s15 =	sshra.s32 s10, $0x1F  }
0x2f: {  	s14 =	simm.s32 @!p0 $0x1862;
	s15 =	sand.u32 s15, s10  }
0x30: {  	s14 =	ssub.s32 s14, s15  }
0x31: {  	s16 =	sadd.s32 $0x8, s10;
	s14 =	sadd.s32 $0xFFFFE79E, s14  }
0x32: {  	p1 =	slt.s32 s16, $0x186A;
	s30 =	sshll.u32 s14, $0xD  }
0x33: {  	s16 =	simm.s32 @!p1 $0x186A;
	s15 =	ssub.s32 $0x10000, s30  }
0x34: {  	p0 =	sgt.s32 s14, $0x7;
	s14 =	sshrl.u32 s15, $0x2;
	s15 =	ssub.s32 s16, s10  }
0x35: {  	s14 =	simm.s32 @p0 $0x0;
	p0 =	slt.s32 s15, $0x1  }
.Ltmp3:
0x36: {  	_ = 	snop;
	(pc) =	sbr.rel @p0 .LBB1_9-.Ltmp3, $4  }
0x37: {  	_ = 	snop  }
0x38: {  	_ =	swait.ge [sflag:s5], s14  }
0x39: {  	s31 =	ssub.s32 $0x0, s14;
	[sflag:s5] =	ssyncset.done $0x0  }
0x3a: {  	[sflag:s5] =	ssyncadd.s32 s31  }
0x3b: {  	s16 =	sshll.u32 s9, $0x2  }
0x3c: {  	s16 =	sand.u32 $0x10000, s16  }
0x3d: {  	s16 =	sshrl.u32 s16, $0x2  }
0x3e: {  	s18 =	simm.s32 $0x0;
	s19 =	simm.s32 $0x0;
	s17 =	sor.u32 $0x8000, s16  }
.LBB1_4:
0x3f: {  	s20 =	sshra.s32 s18, $0x2  }
0x40: {  	v0 =	vmov s20;
	_ =	sdelay $0x3  }
0x41: {  	p1 =	por $0x1, $0x1;
	s20 =	simm.s32 $0x0  }
.LBB1_5:
0x42: {  	_ = 	snop  }
0x43: {  	s21 =	sshll.u32 s20, $0xA  }
0x44: {  	s21 =	sand.u32 $0x3FFFFC00, s21  }
0x45: {  	s21 =	sadd.s32 s21, s16  }
0x46: {  	v5 =	vld.idx.msk [tilespmem:v0+s21+$0x70 ss:$0x1], $0xffff  }
0x47: {  	v6 =	vld.idx.msk [tilespmem:v0+s21+$0x10 ss:$0x1], $0xffff  }
0x48: {  	v7 =	vld.idx.msk [tilespmem:v0+s21+$0x20 ss:$0x1], $0xffff  }
0x49: {  	s31 =	sshll.u32 s20, $0x7;
	v1 =	vld.idx.msk [tilespmem:v0+s21+$0x30 ss:$0x1], $0xffff  }
0x4a: {  	s20 =	sand.u32 $0x3FFFFF80, s31;
	v2 =	vld.idx.msk [tilespmem:v0+s21+$0x40 ss:$0x1], $0xffff  }
0x4b: {  	s20 =	sadd.s32 s20, s17;
	v3 =	vld.idx.msk [tilespmem:v0+s21+$0x50 ss:$0x1], $0xffff  }
0x4c: {  	v4 =	vld.idx.msk [tilespmem:v0+s21+$0x60 ss:$0x1], $0xffff;
	[tilespmem:v0+s20+$0x70 ss:$0x1] =	vst.idx.msk $0xffff, v5  }
0x4d: {  	v5 =	vld.idx.msk [tilespmem:v0+s21+$0x0 ss:$0x1], $0xffff;
	[tilespmem:v0+s20+$0x10 ss:$0x1] =	vst.idx.msk $0xffff, v6;
	s21 =	sadd.s32 $0x80, s21  }
0x4e: {  	p0 =	por p1, p1;
	s22 =	simm.s32 $0x6;
	[tilespmem:v0+s20+$0x20 ss:$0x1] =	vst.idx.msk $0xffff, v7;
	v6 =	vld.idx.msk [tilespmem:v0+s21+$0x70 ss:$0x1], $0xffff  }
.LBB1_6:
0x4f: {  	p1 =	sne.s32 s22, $0x1;
	v7 =	vld.idx.msk [tilespmem:v0+s21+$0x10 ss:$0x1], $0xffff;
	[tilespmem:v0+s20+$0x30 ss:$0x1] =	vst.idx.msk $0xffff, v1  }
0x50: {  	v8 =	vld.idx.msk [tilespmem:v0+s21+$0x20 ss:$0x1], $0xffff;
	[tilespmem:v0+s20+$0x40 ss:$0x1] =	vst.idx.msk $0xffff, v2  }
0x51: {  	v1 =	vld.idx.msk [tilespmem:v0+s21+$0x30 ss:$0x1], $0xffff;
	[tilespmem:v0+s20+$0x50 ss:$0x1] =	vst.idx.msk $0xffff, v3  }
.Ltmp4:
0x52: {  	v2 =	vld.idx.msk [tilespmem:v0+s21+$0x40 ss:$0x1], $0xffff;
	[tilespmem:v0+s20+$0x60 ss:$0x1] =	vst.idx.msk $0xffff, v4;
	(pc) =	sbr.rel @p1 .LBB1_6-.Ltmp4, $4  }
0x53: {  	v3 =	vld.idx.msk [tilespmem:v0+s21+$0x50 ss:$0x1], $0xffff;
	[tilespmem:v0+s20+$0x0 ss:$0x1] =	vst.idx.msk $0xffff, v5;
	s20 =	sadd.s32 $0x100, s20  }
0x54: {  	v4 =	vld.idx.msk [tilespmem:v0+s21+$0x60 ss:$0x1], $0xffff;
	[tilespmem:v0+s20+$0x70 ss:$0x1] =	vst.idx.msk $0xffff, v6  }
0x55: {  	v5 =	vld.idx.msk [tilespmem:v0+s21+$0x0 ss:$0x1], $0xffff;
	[tilespmem:v0+s20+$0x10 ss:$0x1] =	vst.idx.msk $0xffff, v7;
	s21 =	sadd.s32 $0x80, s21  }
0x56: {  	s22 =	sadd.s32 $0xFFFFFFFF, s22;
	v6 =	vld.idx.msk [tilespmem:v0+s21+$0x70 ss:$0x1], $0xffff;
	[tilespmem:v0+s20+$0x20 ss:$0x1] =	vst.idx.msk $0xffff, v8  }
0x57: {  	_ =	sdelay $0x3  }
0x58: {  	[tilespmem:v0+s20+$0x30 ss:$0x1] =	vst.idx.msk $0xffff, v1  }
0x59: {  	v1 =	vld.idx.msk [tilespmem:v0+s21+$0x10 ss:$0x1], $0xffff;
	[tilespmem:v0+s20+$0x40 ss:$0x1] =	vst.idx.msk $0xffff, v2  }
0x5a: {  	v2 =	vld.idx.msk [tilespmem:v0+s21+$0x20 ss:$0x1], $0xffff;
	[tilespmem:v0+s20+$0x50 ss:$0x1] =	vst.idx.msk $0xffff, v3  }
0x5b: {  	v61 =	vld.idx.msk [tilespmem:v0+s21+$0x40 ss:$0x1], $0xffff;
	[tilespmem:v0+s20+$0x60 ss:$0x1] =	vst.idx.msk $0xffff, v4  }
0x5c: {  	s31 =	sadd.s32 $0x100, s20;
	v62 =	vld.idx.msk [tilespmem:v0+s21+$0x50 ss:$0x1], $0xffff;
	[tilespmem:v0+s20+$0x0 ss:$0x1] =	vst.idx.msk $0xffff, v5  }
0x5d: {  	v63 =	vld.idx.msk [tilespmem:v0+s21+$0x60 ss:$0x1], $0xffff;
	[tilespmem:v0+s31+$0x70 ss:$0x1] =	vst.idx.msk $0xffff, v6  }
0x5e: {  	v3 =	vld.idx.msk [tilespmem:v0+s21+$0x30 ss:$0x1], $0xffff;
	[tilespmem:v0+s31+$0x10 ss:$0x1] =	vst.idx.msk $0xffff, v1  }
0x5f: {  	v1 =	vld.idx.msk [tilespmem:v0+s21+$0x0 ss:$0x1], $0xffff;
	[tilespmem:v0+s31+$0x20 ss:$0x1] =	vst.idx.msk $0xffff, v2  }
.Ltmp5:
0x60: {  	[tilespmem:v0+s31+$0x40 ss:$0x1] =	vst.idx.msk $0xffff, v61;
	(pc) =	sbr.rel @p0 .LBB1_5-.Ltmp5, $4  }
0x61: {  	[tilespmem:v0+s31+$0x50 ss:$0x1] =	vst.idx.msk $0xffff, v62  }
0x62: {  	[tilespmem:v0+s31+$0x60 ss:$0x1] =	vst.idx.msk $0xffff, v63  }
0x63: {  	[tilespmem:v0+s31+$0x30 ss:$0x1] =	vst.idx.msk $0xffff, v3  }
0x64: {  	p1 =	por $0x0, $0x0;
	s20 =	simm.s32 $0x1;
	[tilespmem:v0+s31+$0x0 ss:$0x1] =	vst.idx.msk $0xffff, v1  }
0x65: {  	s19 =	sadd.s32 $0x1, s19  }
0x66: {  	p0 =	sne.s32 s19, s15  }
.Ltmp6:
0x67: {  	_ = 	snop;
	(pc) =	sbr.rel @p0 .LBB1_4-.Ltmp6, $4  }
.Ltmp7:
0x68: {  	_ = 	snop;
	(pc) =	sbr.rel @!p0 .LBB1_9-.Ltmp7, $4  }
0x69: {  	_ = 	snop  }
0x6a: {  	_ = 	snop  }
0x6b: {  	s18 =	sadd.s32 $0x2000, s18  }
0x6c: {  	_ = 	snop  }
.LBB1_11:
0x6d: {  	_ =	sfence.sel $0x180000  }
0x6e: {  	s2 =	simm.s32 $0x1;
	[bflag:$0x0] =	sbarrier.arrive $0xFFFF  }
0x6f: {  	s31 =	simm.s32 $0x2;
	[sflag:s2] =	ssyncpa.u1 $0x1  }
0x70: {  	[sflag:s31] =	ssyncpa.u1 $0x1  }
0x71: {  	p0 =	sne.s32 s1, $0x0;
	_ =	strace $0x90000047  }
0x72: {  	s0 =	sadd.s32 @!p0 $0x100000, s0;
	[bflag:$0x2] =	sbarrier.arrive $0xFFFF  }
0x73: {  	[sflag:s0] =	ssyncadd.tile.s32 @!p0 $0x1;
	_ =	shalt  }
.Lfunc_end1:
_tile_overlayer_lowered:
.L_overlay_start_2:
0x74: {  	(tag) =	ssettag $0x2  }
0x75: {  	s0 =	rddreg [dreg:$0x0];
	s2 =	stileid.u32  }
0x76: {  	s1 =	rddreg [dreg:$0x1];
	p0 =	sne.s32 s2, $0x0  }
0x77: {  	s3 =	rddreg [dreg:$0x2];
	[bflag:$0x3] =	sbarrier.arrive $0xFFFF;
	s2 =	simm.s32 @!p0 $0x1C01  }
0x78: {  	[timem:s3], [sflag:s2] =	dma.local @!p0 [hbm:s0], s1  }
0x79: {  	s0 =	simm.s32 @!p0 $0x1  }
0x7a: {  	_ =	swait.ge @!p0 [sflag:s0], s1  }
0x7b: {  	s1 =	ssub.s32 @!p0 $0x0, s1;
	[sflag:s0] =	ssyncset.done @!p0 $0x0  }
0x7c: {  	[sflag:s0] =	ssyncadd.s32 @!p0 s1  }
0x7d: {  	[bflag:$0x3] =	sbarrier.arrive $0xFFFF  }
0x7e: {  	_ =	shalt  }

</sc_bundles>
